<compile_context>
chip_gen: v7x
topology: tpu7x:2x2x1
jax: 0.10.2.dev20260603
libtpu: 0.0.44.dev20260713+nightly
codegen_flags: <defaults>
</compile_context>

<pallas_src>
import functools

import jax
import jax.numpy as jnp
import numpy as np
from jax import lax
from jax.experimental import pallas as pl
from jax.experimental.pallas import tpu as pltpu
from jax.experimental.pallas import tpu_sc as plsc

N = 1_000_000
C = 81
BINS = 10
L = 32768
NBLK = (N + L - 1) // L

NW = 32
CHUNK = 31264
LAST = N - (NW - 1) * CHUNK

_e = np.arange(BINS + 1, dtype=np.float32) / np.float32(BINS)
_e[BINS] = _e[BINS] + np.float32(1e-6)
EDGES = [float(x) for x in _e]



def _ce_body(predt_ref, tgt_ref, val_ref, max_ref):
    i = pl.program_id(0)
    p = predt_ref[...]
    t = tgt_ref[...].reshape(1, L)
    e = jnp.exp(p)
    s = jnp.sum(e, axis=0, keepdims=True)
    rows = lax.broadcasted_iota(jnp.int32, (C, L), 0)
    pm = jnp.where(rows == t, p, 0.0)
    pt = jnp.sum(pm, axis=0, keepdims=True)
    v = jnp.log(s) - pt
    lanes = lax.broadcasted_iota(jnp.int32, (1, L), 1) + i * L
    v = jnp.where(lanes < N, v, -jnp.inf)
    val_ref[...] = v.reshape(L)
    bm = jnp.max(v)

    @pl.when(i == 0)
    def _init():
        max_ref[...] = jnp.full((8, 128), bm, jnp.float32)

    @pl.when(i > 0)
    def _acc():
        max_ref[...] = jnp.maximum(max_ref[...], bm)


def _tc_values(predt, tgt):
    return pl.pallas_call(
        _ce_body,
        grid=(NBLK,),
        in_specs=[
            pl.BlockSpec((C, L), lambda i: (0, i)),
            pl.BlockSpec((L,), lambda i: (i,)),
        ],
        out_specs=[
            pl.BlockSpec((L,), lambda i: (i,)),
            pl.BlockSpec((8, 128), lambda i: (0, 0)),
        ],
        out_shape=[
            jax.ShapeDtypeStruct((N,), jnp.float32),
            jax.ShapeDtypeStruct((8, 128), jnp.float32),
        ],
        compiler_params=pltpu.CompilerParams(
            dimension_semantics=("arbitrary",),
        ),
    )(predt, tgt)



def _sc_histogram(values, maxvec):
    mesh = plsc.VectorSubcoreMesh(core_axis_name="c", subcore_axis_name="s")

    @functools.partial(
        pl.kernel,
        mesh=mesh,
        out_type=(
            jax.ShapeDtypeStruct((NW, 16), jnp.float32),
            jax.ShapeDtypeStruct((NW, 16), jnp.float32),
        ),
        scratch_types=[
            pltpu.VMEM((CHUNK,), jnp.float32),
            pltpu.VMEM((16,), jnp.float32),
            pltpu.VMEM((16,), jnp.float32),
            pltpu.VMEM((128,), jnp.float32),
        ],
        compiler_params=pltpu.CompilerParams(needs_layout_passes=False),
    )
    def k(values_hbm, max_hbm, s2_hbm, c2_hbm, buf, s_res, c_res, mbuf):
        cid = lax.axis_index("c")
        sid = lax.axis_index("s")
        wid = sid * 2 + cid
        base = wid * CHUNK

        pltpu.sync_copy(max_hbm.at[0], mbuf)
        vmax = mbuf[pl.ds(0, 16)]
        lanes = lax.iota(jnp.int32, 16)
        zeros = jnp.zeros((16,), jnp.float32)

        def accumulate(nvec, size):
            pltpu.sync_copy(values_hbm.at[pl.ds(base, size)],
                            buf.at[pl.ds(0, size)])

            def step(kk, accs):
                v = buf[pl.ds(kk * 16, 16)]
                vc = v / vmax
                acc = jnp.full((16,), -1, jnp.int32)
                for e in EDGES:
                    acc = acc + jnp.where(vc >= e, 1, 0)
                b = jnp.clip(acc, 0, BINS - 1)
                masks = [b == bi for bi in range(BINS)]
                out = [accs[bi] + jnp.where(masks[bi], v, 0.0)
                       for bi in range(BINS)]
                out += [accs[BINS + bi] + jnp.where(masks[bi], 1.0, 0.0)
                        for bi in range(BINS)]
                return tuple(out)

            accs = lax.fori_loop(0, nvec, step, (zeros,) * (2 * BINS))
            s16 = zeros
            c16 = zeros
            for bi in range(BINS):
                s16 = jnp.where(lanes == bi, jnp.sum(accs[bi]), s16)
                c16 = jnp.where(lanes == bi, jnp.sum(accs[BINS + bi]), c16)
            s_res[...] = s16
            c_res[...] = c16

        @pl.when(wid < NW - 1)
        def _main():
            accumulate(CHUNK // 16, CHUNK)

        @pl.when(wid == NW - 1)
        def _tail():
            accumulate(LAST // 16, LAST)

        pltpu.sync_copy(s_res, s2_hbm.at[wid])
        pltpu.sync_copy(c_res, c2_hbm.at[wid])

    return k(values, maxvec)



def _loss_body(s_ref, c_ref, out_ref):
    S = jnp.sum(s_ref[...], axis=0)
    Cc = jnp.sum(c_ref[...], axis=0)
    nonempty = Cc > 0.0
    n = jnp.sum(jnp.where(nonempty, 1.0, 0.0))
    contrib = jnp.where(nonempty, S / jnp.maximum(Cc, 1.0), 0.0)
    out_ref[0, 0] = jnp.sum(contrib) / n


def _tc_loss(s2, c2):
    return pl.pallas_call(
        _loss_body,
        in_specs=[
            pl.BlockSpec(memory_space=pltpu.VMEM),
            pl.BlockSpec(memory_space=pltpu.VMEM),
        ],
        out_specs=pl.BlockSpec(memory_space=pltpu.SMEM),
        out_shape=jax.ShapeDtypeStruct((1, 1), jnp.float32),
    )(s2, c2)


def kernel(pred, target):
    vals, maxout = _tc_values(pred.T, target.astype(jnp.int32))
    s2, c2 = _sc_histogram(vals, maxout)
    return _tc_loss(s2, c2)[0, 0]

# --- scband reference (transcript-rebuilt; emitter-appended) ---
"""Pipeline reference for scband-softmax-ghmc-38671885533681 (READ-ONLY COPY).

The authoritative reference and input builder live on the scoring server;
editing this copy changes nothing except your own understanding.
"""

import jax, jax.numpy as jnp
import numpy as np

BINS = 10

def setup_inputs(seed: int = 0) -> dict:
    key = jax.random.key(seed)
    k1, k2 = jax.random.split(key)
    pred = jax.random.normal(k1, (1000000, 81), dtype=jnp.float32)
    target = jax.random.randint(k2, (1000000,), 0, 81, dtype=jnp.int64 if jax.config.jax_enable_x64 else jnp.int32)
    return {"pred": pred, "target": target}

def reference(pred, target):
    bins = BINS
    edges = jnp.arange(bins + 1, dtype=jnp.float32) / bins
    edges = edges.at[-1].add(1e-06)
    # cross entropy per-sample, reduction='none'
    logp = jax.nn.log_softmax(pred, axis=-1)
    values = -jnp.take_along_axis(logp, target[:, None].astype(jnp.int32), axis=-1)[:, 0]
    # detached, normalized by max
    values_clip = jax.lax.stop_gradient(values)
    values_clip = values_clip / jnp.max(values_clip)
    tot = values.shape[0]
    # bin assignment: edges[i] <= v < edges[i+1]
    bin_idx = jnp.clip(jnp.searchsorted(edges, values_clip, side='right') - 1, 0, bins - 1)
    counts = jnp.bincount(bin_idx, length=bins)
    # every sample's bin contains at least itself, so counts[bin_idx] > 0
    weights = tot / counts[bin_idx].astype(jnp.float32)
    n = jnp.sum(counts > 0)
    weights = jnp.where(n > 0, weights / n.astype(jnp.float32), weights)
    weights = weights / tot
    weights = jax.lax.stop_gradient(weights)
    loss = jnp.sum(weights * values)
    return loss

if __name__ == "__main__":
    import jax
    _d = setup_inputs()
    print(jax.jit(kernel)(*tuple(_d.values())))

</pallas_src>

<mosaic_0001>
#map = affine_map<(d0, d1) -> (0)>
#map1 = affine_map<(d0, d1) -> (0, 0)>
module attributes {stable_mosaic.version = 14 : i64} {
  func.func @k(%arg0: i32, %arg1: i32, %arg2: memref<1000000xf32, #tpu.memory_space<hbm>>, %arg3: memref<8x128xf32, #tpu.memory_space<hbm>>, %arg4: memref<32x16xf32, #tpu.memory_space<hbm>>, %arg5: memref<32x16xf32, #tpu.memory_space<hbm>>, %arg6: memref<31264xf32, #tpu.memory_space<vmem>>, %arg7: memref<16xf32, #tpu.memory_space<vmem>>, %arg8: memref<16xf32, #tpu.memory_space<vmem>>, %arg9: memref<128xf32, #tpu.memory_space<vmem>>) attributes {dimension_semantics = [#tpu.dimension_semantics<core_parallel>, #tpu.dimension_semantics<subcore_parallel>], iteration_bounds = array<i64: 2, 16>, scalar_prefetch = 0 : i64, scratch_operands = 4 : i64, tpu.core_type = #tpu.core_type<sc_vector_subcore>, window_params = [{transform_indices = #map}, {transform_indices = #map1}, {transform_indices = #map1}, {transform_indices = #map1}]} {
    %mul3A = arith.constant 2 : i32
    %mul3A_0 = arith.muli %arg1, %mul3A : i32
    %add3A = arith.addi %mul3A_0, %arg0 : i32
    %mul3A_1 = arith.constant 31264 : i32
    %mul3A_2 = arith.muli %add3A, %mul3A_1 : i32
    %run_scoped3A = arith.constant 0 : i32
    "tpu.region"() ({
      %run_scoped3A_11 = tpu.sem_alloc : memref<!tpu.dma_semaphore, #tpu.memory_space<semaphore_mem>>
      %dma_start3A = arith.constant 0 : i32
      %dma_start3A_12 = tpu.memref_slice %arg3[%run_scoped3A, %dma_start3A] : memref<8x128xf32, #tpu.memory_space<hbm>> -> memref<1x128xf32, #tpu.memory_space<hbm>>
      %dma_start3A_13 = tpu.memref_squeeze %dma_start3A_12 : memref<1x128xf32, #tpu.memory_space<hbm>> -> memref<128xf32, #tpu.memory_space<hbm>>
      %dma_start3A_14 = arith.constant 0 : i32
      %dma_start3A_15 = tpu.memref_slice %arg3[%run_scoped3A, %dma_start3A_14] : memref<8x128xf32, #tpu.memory_space<hbm>> -> memref<1x128xf32, #tpu.memory_space<hbm>>
      %dma_start3A_16 = tpu.memref_squeeze %dma_start3A_15 : memref<1x128xf32, #tpu.memory_space<hbm>> -> memref<128xf32, #tpu.memory_space<hbm>>
      tpu.enqueue_dma source(%dma_start3A_16 : memref<128xf32, #tpu.memory_space<hbm>>) target(%arg9 : memref<128xf32, #tpu.memory_space<vmem>>) target_semaphore(%run_scoped3A_11 : memref<!tpu.dma_semaphore, #tpu.memory_space<semaphore_mem>>)
      %dma_wait3A = arith.constant 0 : i32
      %dma_wait3A_17 = tpu.memref_slice %arg3[%run_scoped3A, %dma_wait3A] : memref<8x128xf32, #tpu.memory_space<hbm>> -> memref<1x128xf32, #tpu.memory_space<hbm>>
      %dma_wait3A_18 = tpu.memref_squeeze %dma_wait3A_17 : memref<1x128xf32, #tpu.memory_space<hbm>> -> memref<128xf32, #tpu.memory_space<hbm>>
      %dma_wait3A_19 = arith.constant 0 : i32
      %dma_wait3A_20 = tpu.memref_slice %arg3[%run_scoped3A, %dma_wait3A_19] : memref<8x128xf32, #tpu.memory_space<hbm>> -> memref<1x128xf32, #tpu.memory_space<hbm>>
      %dma_wait3A_21 = tpu.memref_squeeze %dma_wait3A_20 : memref<1x128xf32, #tpu.memory_space<hbm>> -> memref<128xf32, #tpu.memory_space<hbm>>
      tpu.wait_dma2 semaphore(%run_scoped3A_11 : memref<!tpu.dma_semaphore, #tpu.memory_space<semaphore_mem>>) src(%dma_wait3A_21 : memref<128xf32, #tpu.memory_space<hbm>>) dst(%arg9 : memref<128xf32, #tpu.memory_space<vmem>>)
      tpu.yield
    }) : () -> ()
    %get3A = arith.constant 0 : index
    %get3A_3 = tpu.vector_load %arg9[%get3A] {strides = array<i32>} : memref<128xf32, #tpu.memory_space<vmem>>, vector<16xf32>,
    %iota3A = tpu.iota {dimensions = array<i32: 0>} : vector<16xi32>
    %broadcast_in_dim3A = arith.constant 0.000000e+00 : f32
    %broadcast_in_dim3A_4 = vector.broadcast %broadcast_in_dim3A : f32 to vector<16xf32>
    %lt3A = arith.constant 31 : i32
    %lt3A_5 = arith.cmpi slt, %add3A, %lt3A : i32
    %convert_element_type3A = arith.extui %lt3A_5 : i1 to i32
    %cond3A = arith.constant 0 : i32
    %cond3A_6 = arith.cmpi ne, %convert_element_type3A, %cond3A : i32
    scf.if %cond3A_6 {
      "tpu.region"() ({
        %run_scoped3A_197 = tpu.sem_alloc : memref<!tpu.dma_semaphore, #tpu.memory_space<semaphore_mem>>
        %dma_start3A = arith.constant 0 : i32
        %dma_start3A_198 = tpu.memref_slice %arg6[%dma_start3A] : memref<31264xf32, #tpu.memory_space<vmem>> -> memref<31264xf32, #tpu.memory_space<vmem>>
        %dma_start3A_199 = tpu.memref_slice %arg2[%mul3A_2] : memref<1000000xf32, #tpu.memory_space<hbm>> -> memref<31264xf32, #tpu.memory_space<hbm>>
        %dma_start3A_200 = arith.constant 0 : i32
        %dma_start3A_201 = tpu.memref_slice %arg6[%dma_start3A_200] : memref<31264xf32, #tpu.memory_space<vmem>> -> memref<31264xf32, #tpu.memory_space<vmem>>
        %dma_start3A_202 = tpu.memref_slice %arg2[%mul3A_2] : memref<1000000xf32, #tpu.memory_space<hbm>> -> memref<31264xf32, #tpu.memory_space<hbm>>
        tpu.enqueue_dma source(%dma_start3A_202 : memref<31264xf32, #tpu.memory_space<hbm>>) target(%dma_start3A_201 : memref<31264xf32, #tpu.memory_space<vmem>>) target_semaphore(%run_scoped3A_197 : memref<!tpu.dma_semaphore, #tpu.memory_space<semaphore_mem>>)
        %dma_wait3A = arith.constant 0 : i32
        %dma_wait3A_203 = tpu.memref_slice %arg6[%dma_wait3A] : memref<31264xf32, #tpu.memory_space<vmem>> -> memref<31264xf32, #tpu.memory_space<vmem>>
        %dma_wait3A_204 = tpu.memref_slice %arg2[%mul3A_2] : memref<1000000xf32, #tpu.memory_space<hbm>> -> memref<31264xf32, #tpu.memory_space<hbm>>
        %dma_wait3A_205 = arith.constant 0 : i32
        %dma_wait3A_206 = tpu.memref_slice %arg6[%dma_wait3A_205] : memref<31264xf32, #tpu.memory_space<vmem>> -> memref<31264xf32, #tpu.memory_space<vmem>>
        %dma_wait3A_207 = tpu.memref_slice %arg2[%mul3A_2] : memref<1000000xf32, #tpu.memory_space<hbm>> -> memref<31264xf32, #tpu.memory_space<hbm>>
        tpu.wait_dma2 semaphore(%run_scoped3A_197 : memref<!tpu.dma_semaphore, #tpu.memory_space<semaphore_mem>>) src(%dma_wait3A_207 : memref<31264xf32, #tpu.memory_space<hbm>>) dst(%dma_wait3A_206 : memref<31264xf32, #tpu.memory_space<vmem>>)
        tpu.yield
      }) : () -> ()
      %scan3A = arith.constant 0 : i32
      %scan3A_11 = arith.constant 1954 : i32
      %scan3A_12 = arith.addi %scan3A, %scan3A_11 : i32
      %scan3A_13 = arith.constant 1 : i32
      %scan3A_14:20 = scf.for %scan3A_197 = %scan3A to %scan3A_12 step %scan3A_13 iter_args(%scan3A_198 = %broadcast_in_dim3A_4, %scan3A_199 = %broadcast_in_dim3A_4, %scan3A_200 = %broadcast_in_dim3A_4, %scan3A_201 = %broadcast_in_dim3A_4, %scan3A_202 = %broadcast_in_dim3A_4, %scan3A_203 = %broadcast_in_dim3A_4, %scan3A_204 = %broadcast_in_dim3A_4, %scan3A_205 = %broadcast_in_dim3A_4, %scan3A_206 = %broadcast_in_dim3A_4, %scan3A_207 = %broadcast_in_dim3A_4, %scan3A_208 = %broadcast_in_dim3A_4, %scan3A_209 = %broadcast_in_dim3A_4, %scan3A_210 = %broadcast_in_dim3A_4, %scan3A_211 = %broadcast_in_dim3A_4, %scan3A_212 = %broadcast_in_dim3A_4, %scan3A_213 = %broadcast_in_dim3A_4, %scan3A_214 = %broadcast_in_dim3A_4, %scan3A_215 = %broadcast_in_dim3A_4, %scan3A_216 = %broadcast_in_dim3A_4, %scan3A_217 = %broadcast_in_dim3A_4) -> (vector<16xf32>, vector<16xf32>, vector<16xf32>, vector<16xf32>, vector<16xf32>, vector<16xf32>, vector<16xf32>, vector<16xf32>, vector<16xf32>, vector<16xf32>, vector<16xf32>, vector<16xf32>, vector<16xf32>, vector<16xf32>, vector<16xf32>, vector<16xf32>, vector<16xf32>, vector<16xf32>, vector<16xf32>, vector<16xf32>)  : i32 {
        %mul3A_218 = arith.constant 16 : i32
        %mul3A_219 = arith.muli %scan3A_197, %mul3A_218 : i32
        %get3A_220 = arith.index_cast %mul3A_219 : i32 to index
        %get3A_221 = tpu.vector_load %arg6[%get3A_220] {strides = array<i32>} : memref<31264xf32, #tpu.memory_space<vmem>>, vector<16xf32>,
        %div3A = arith.divf %get3A_221, %get3A_3 : vector<16xf32>
        %broadcast_in_dim3A_222 = arith.constant -1 : i32
        %broadcast_in_dim3A_223 = vector.broadcast %broadcast_in_dim3A_222 : i32 to vector<16xi32>
        %ge3A = arith.constant 0.000000e+00 : f32
        %ge3A_224 = vector.broadcast %ge3A : f32 to vector<16xf32>
        %ge3A_225 = arith.cmpf oge, %div3A, %ge3A_224 : vector<16xf32>
        %jit3A = arith.constant 1 : i32
        %jit3A_226 = arith.constant 0 : i32
        %broadcast_in_dim3A_227 = vector.broadcast %jit3A : i32 to vector<16xi32>
        %broadcast_in_dim3A_228 = vector.broadcast %jit3A_226 : i32 to vector<16xi32>
        %select_n3A_229 = arith.select %ge3A_225, %broadcast_in_dim3A_227, %broadcast_in_dim3A_228 : vector<16xi1>, vector<16xi32>
        %add3A_230 = arith.addi %broadcast_in_dim3A_223, %select_n3A_229 : vector<16xi32>
        %ge3A_231 = arith.constant 1.000000e-01 : f32
        %ge3A_232 = vector.broadcast %ge3A_231 : f32 to vector<16xf32>
        %ge3A_233 = arith.cmpf oge, %div3A, %ge3A_232 : vector<16xf32>
        %jit3A_234 = arith.constant 1 : i32
        %jit3A_235 = arith.constant 0 : i32
        %broadcast_in_dim3A_236 = vector.broadcast %jit3A_234 : i32 to vector<16xi32>
        %broadcast_in_dim3A_237 = vector.broadcast %jit3A_235 : i32 to vector<16xi32>
        %select_n3A_238 = arith.select %ge3A_233, %broadcast_in_dim3A_236, %broadcast_in_dim3A_237 : vector<16xi1>, vector<16xi32>
        %add3A_239 = arith.addi %add3A_230, %select_n3A_238 : vector<16xi32>
        %ge3A_240 = arith.constant 2.000000e-01 : f32
        %ge3A_241 = vector.broadcast %ge3A_240 : f32 to vector<16xf32>
        %ge3A_242 = arith.cmpf oge, %div3A, %ge3A_241 : vector<16xf32>
        %jit3A_243 = arith.constant 1 : i32
        %jit3A_244 = arith.constant 0 : i32
        %broadcast_in_dim3A_245 = vector.broadcast %jit3A_243 : i32 to vector<16xi32>
        %broadcast_in_dim3A_246 = vector.broadcast %jit3A_244 : i32 to vector<16xi32>
        %select_n3A_247 = arith.select %ge3A_242, %broadcast_in_dim3A_245, %broadcast_in_dim3A_246 : vector<16xi1>, vector<16xi32>
        %add3A_248 = arith.addi %add3A_239, %select_n3A_247 : vector<16xi32>
        %ge3A_249 = arith.constant 3.000000e-01 : f32
        %ge3A_250 = vector.broadcast %ge3A_249 : f32 to vector<16xf32>
        %ge3A_251 = arith.cmpf oge, %div3A, %ge3A_250 : vector<16xf32>
        %jit3A_252 = arith.constant 1 : i32
        %jit3A_253 = arith.constant 0 : i32
        %broadcast_in_dim3A_254 = vector.broadcast %jit3A_252 : i32 to vector<16xi32>
        %broadcast_in_dim3A_255 = vector.broadcast %jit3A_253 : i32 to vector<16xi32>
        %select_n3A_256 = arith.select %ge3A_251, %broadcast_in_dim3A_254, %broadcast_in_dim3A_255 : vector<16xi1>, vector<16xi32>
        %add3A_257 = arith.addi %add3A_248, %select_n3A_256 : vector<16xi32>
        %ge3A_258 = arith.constant 4.000000e-01 : f32
        %ge3A_259 = vector.broadcast %ge3A_258 : f32 to vector<16xf32>
        %ge3A_260 = arith.cmpf oge, %div3A, %ge3A_259 : vector<16xf32>
        %jit3A_261 = arith.constant 1 : i32
        %jit3A_262 = arith.constant 0 : i32
        %broadcast_in_dim3A_263 = vector.broadcast %jit3A_261 : i32 to vector<16xi32>
        %broadcast_in_dim3A_264 = vector.broadcast %jit3A_262 : i32 to vector<16xi32>
        %select_n3A_265 = arith.select %ge3A_260, %broadcast_in_dim3A_263, %broadcast_in_dim3A_264 : vector<16xi1>, vector<16xi32>
        %add3A_266 = arith.addi %add3A_257, %select_n3A_265 : vector<16xi32>
        %ge3A_267 = arith.constant 5.000000e-01 : f32
        %ge3A_268 = vector.broadcast %ge3A_267 : f32 to vector<16xf32>
        %ge3A_269 = arith.cmpf oge, %div3A, %ge3A_268 : vector<16xf32>
        %jit3A_270 = arith.constant 1 : i32
        %jit3A_271 = arith.constant 0 : i32
        %broadcast_in_dim3A_272 = vector.broadcast %jit3A_270 : i32 to vector<16xi32>
        %broadcast_in_dim3A_273 = vector.broadcast %jit3A_271 : i32 to vector<16xi32>
        %select_n3A_274 = arith.select %ge3A_269, %broadcast_in_dim3A_272, %broadcast_in_dim3A_273 : vector<16xi1>, vector<16xi32>
        %add3A_275 = arith.addi %add3A_266, %select_n3A_274 : vector<16xi32>
        %ge3A_276 = arith.constant 6.000000e-01 : f32
        %ge3A_277 = vector.broadcast %ge3A_276 : f32 to vector<16xf32>
        %ge3A_278 = arith.cmpf oge, %div3A, %ge3A_277 : vector<16xf32>
        %jit3A_279 = arith.constant 1 : i32
        %jit3A_280 = arith.constant 0 : i32
        %broadcast_in_dim3A_281 = vector.broadcast %jit3A_279 : i32 to vector<16xi32>
        %broadcast_in_dim3A_282 = vector.broadcast %jit3A_280 : i32 to vector<16xi32>
        %select_n3A_283 = arith.select %ge3A_278, %broadcast_in_dim3A_281, %broadcast_in_dim3A_282 : vector<16xi1>, vector<16xi32>
        %add3A_284 = arith.addi %add3A_275, %select_n3A_283 : vector<16xi32>
        %ge3A_285 = arith.constant 0.699999988 : f32
        %ge3A_286 = vector.broadcast %ge3A_285 : f32 to vector<16xf32>
        %ge3A_287 = arith.cmpf oge, %div3A, %ge3A_286 : vector<16xf32>
        %jit3A_288 = arith.constant 1 : i32
        %jit3A_289 = arith.constant 0 : i32
        %broadcast_in_dim3A_290 = vector.broadcast %jit3A_288 : i32 to vector<16xi32>
        %broadcast_in_dim3A_291 = vector.broadcast %jit3A_289 : i32 to vector<16xi32>
        %select_n3A_292 = arith.select %ge3A_287, %broadcast_in_dim3A_290, %broadcast_in_dim3A_291 : vector<16xi1>, vector<16xi32>
        %add3A_293 = arith.addi %add3A_284, %select_n3A_292 : vector<16xi32>
        %ge3A_294 = arith.constant 8.000000e-01 : f32
        %ge3A_295 = vector.broadcast %ge3A_294 : f32 to vector<16xf32>
        %ge3A_296 = arith.cmpf oge, %div3A, %ge3A_295 : vector<16xf32>
        %jit3A_297 = arith.constant 1 : i32
        %jit3A_298 = arith.constant 0 : i32
        %broadcast_in_dim3A_299 = vector.broadcast %jit3A_297 : i32 to vector<16xi32>
        %broadcast_in_dim3A_300 = vector.broadcast %jit3A_298 : i32 to vector<16xi32>
        %select_n3A_301 = arith.select %ge3A_296, %broadcast_in_dim3A_299, %broadcast_in_dim3A_300 : vector<16xi1>, vector<16xi32>
        %add3A_302 = arith.addi %add3A_293, %select_n3A_301 : vector<16xi32>
        %ge3A_303 = arith.constant 0.899999976 : f32
        %ge3A_304 = vector.broadcast %ge3A_303 : f32 to vector<16xf32>
        %ge3A_305 = arith.cmpf oge, %div3A, %ge3A_304 : vector<16xf32>
        %jit3A_306 = arith.constant 1 : i32
        %jit3A_307 = arith.constant 0 : i32
        %broadcast_in_dim3A_308 = vector.broadcast %jit3A_306 : i32 to vector<16xi32>
        %broadcast_in_dim3A_309 = vector.broadcast %jit3A_307 : i32 to vector<16xi32>
        %select_n3A_310 = arith.select %ge3A_305, %broadcast_in_dim3A_308, %broadcast_in_dim3A_309 : vector<16xi1>, vector<16xi32>
        %add3A_311 = arith.addi %add3A_302, %select_n3A_310 : vector<16xi32>
        %ge3A_312 = arith.constant 1.00000095 : f32
        %ge3A_313 = vector.broadcast %ge3A_312 : f32 to vector<16xf32>
        %ge3A_314 = arith.cmpf oge, %div3A, %ge3A_313 : vector<16xf32>
        %jit3A_315 = arith.constant 1 : i32
        %jit3A_316 = arith.constant 0 : i32
        %broadcast_in_dim3A_317 = vector.broadcast %jit3A_315 : i32 to vector<16xi32>
        %broadcast_in_dim3A_318 = vector.broadcast %jit3A_316 : i32 to vector<16xi32>
        %select_n3A_319 = arith.select %ge3A_314, %broadcast_in_dim3A_317, %broadcast_in_dim3A_318 : vector<16xi1>, vector<16xi32>
        %add3A_320 = arith.addi %add3A_311, %select_n3A_319 : vector<16xi32>
        %jit3A_321 = arith.constant 0 : i32
        %jit3A_322 = arith.constant 9 : i32
        %max3A = vector.broadcast %jit3A_321 : i32 to vector<16xi32>
        %max3A_323 = arith.maxsi %max3A, %add3A_320 : vector<16xi32>
        %min3A = vector.broadcast %jit3A_322 : i32 to vector<16xi32>
        %min3A_324 = arith.minsi %min3A, %max3A_323 : vector<16xi32>
        %eq3A_325 = arith.constant 0 : i32
        %eq3A_326 = vector.broadcast %eq3A_325 : i32 to vector<16xi32>
        %eq3A_327 = arith.cmpi eq, %min3A_324, %eq3A_326 : vector<16xi32>
        %eq3A_328 = arith.constant 1 : i32
        %eq3A_329 = vector.broadcast %eq3A_328 : i32 to vector<16xi32>
        %eq3A_330 = arith.cmpi eq, %min3A_324, %eq3A_329 : vector<16xi32>
        %eq3A_331 = arith.constant 2 : i32
        %eq3A_332 = vector.broadcast %eq3A_331 : i32 to vector<16xi32>
        %eq3A_333 = arith.cmpi eq, %min3A_324, %eq3A_332 : vector<16xi32>
        %eq3A_334 = arith.constant 3 : i32
        %eq3A_335 = vector.broadcast %eq3A_334 : i32 to vector<16xi32>
        %eq3A_336 = arith.cmpi eq, %min3A_324, %eq3A_335 : vector<16xi32>
        %eq3A_337 = arith.constant 4 : i32
        %eq3A_338 = vector.broadcast %eq3A_337 : i32 to vector<16xi32>
        %eq3A_339 = arith.cmpi eq, %min3A_324, %eq3A_338 : vector<16xi32>
        %eq3A_340 = arith.constant 5 : i32
        %eq3A_341 = vector.broadcast %eq3A_340 : i32 to vector<16xi32>
        %eq3A_342 = arith.cmpi eq, %min3A_324, %eq3A_341 : vector<16xi32>
        %eq3A_343 = arith.constant 6 : i32
        %eq3A_344 = vector.broadcast %eq3A_343 : i32 to vector<16xi32>
        %eq3A_345 = arith.cmpi eq, %min3A_324, %eq3A_344 : vector<16xi32>
        %eq3A_346 = arith.constant 7 : i32
        %eq3A_347 = vector.broadcast %eq3A_346 : i32 to vector<16xi32>
        %eq3A_348 = arith.cmpi eq, %min3A_324, %eq3A_347 : vector<16xi32>
        %eq3A_349 = arith.constant 8 : i32
        %eq3A_350 = vector.broadcast %eq3A_349 : i32 to vector<16xi32>
        %eq3A_351 = arith.cmpi eq, %min3A_324, %eq3A_350 : vector<16xi32>
        %eq3A_352 = arith.constant 9 : i32
        %eq3A_353 = vector.broadcast %eq3A_352 : i32 to vector<16xi32>
        %eq3A_354 = arith.cmpi eq, %min3A_324, %eq3A_353 : vector<16xi32>
        %jit3A_355 = arith.constant 0.000000e+00 : f32
        %broadcast_in_dim3A_356 = vector.broadcast %jit3A_355 : f32 to vector<16xf32>
        %select_n3A_357 = arith.select %eq3A_327, %get3A_221, %broadcast_in_dim3A_356 : vector<16xi1>, vector<16xf32>
        %add3A_358 = arith.addf %scan3A_198, %select_n3A_357 : vector<16xf32>
        %jit3A_359 = arith.constant 0.000000e+00 : f32
        %broadcast_in_dim3A_360 = vector.broadcast %jit3A_359 : f32 to vector<16xf32>
        %select_n3A_361 = arith.select %eq3A_330, %get3A_221, %broadcast_in_dim3A_360 : vector<16xi1>, vector<16xf32>
        %add3A_362 = arith.addf %scan3A_199, %select_n3A_361 : vector<16xf32>
        %jit3A_363 = arith.constant 0.000000e+00 : f32
        %broadcast_in_dim3A_364 = vector.broadcast %jit3A_363 : f32 to vector<16xf32>
        %select_n3A_365 = arith.select %eq3A_333, %get3A_221, %broadcast_in_dim3A_364 : vector<16xi1>, vector<16xf32>
        %add3A_366 = arith.addf %scan3A_200, %select_n3A_365 : vector<16xf32>
        %jit3A_367 = arith.constant 0.000000e+00 : f32
        %broadcast_in_dim3A_368 = vector.broadcast %jit3A_367 : f32 to vector<16xf32>
        %select_n3A_369 = arith.select %eq3A_336, %get3A_221, %broadcast_in_dim3A_368 : vector<16xi1>, vector<16xf32>
        %add3A_370 = arith.addf %scan3A_201, %select_n3A_369 : vector<16xf32>
        %jit3A_371 = arith.constant 0.000000e+00 : f32
        %broadcast_in_dim3A_372 = vector.broadcast %jit3A_371 : f32 to vector<16xf32>
        %select_n3A_373 = arith.select %eq3A_339, %get3A_221, %broadcast_in_dim3A_372 : vector<16xi1>, vector<16xf32>
        %add3A_374 = arith.addf %scan3A_202, %select_n3A_373 : vector<16xf32>
        %jit3A_375 = arith.constant 0.000000e+00 : f32
        %broadcast_in_dim3A_376 = vector.broadcast %jit3A_375 : f32 to vector<16xf32>
        %select_n3A_377 = arith.select %eq3A_342, %get3A_221, %broadcast_in_dim3A_376 : vector<16xi1>, vector<16xf32>
        %add3A_378 = arith.addf %scan3A_203, %select_n3A_377 : vector<16xf32>
        %jit3A_379 = arith.constant 0.000000e+00 : f32
        %broadcast_in_dim3A_380 = vector.broadcast %jit3A_379 : f32 to vector<16xf32>
        %select_n3A_381 = arith.select %eq3A_345, %get3A_221, %broadcast_in_dim3A_380 : vector<16xi1>, vector<16xf32>
        %add3A_382 = arith.addf %scan3A_204, %select_n3A_381 : vector<16xf32>
        %jit3A_383 = arith.constant 0.000000e+00 : f32
        %broadcast_in_dim3A_384 = vector.broadcast %jit3A_383 : f32 to vector<16xf32>
        %select_n3A_385 = arith.select %eq3A_348, %get3A_221, %broadcast_in_dim3A_384 : vector<16xi1>, vector<16xf32>
        %add3A_386 = arith.addf %scan3A_205, %select_n3A_385 : vector<16xf32>
        %jit3A_387 = arith.constant 0.000000e+00 : f32
        %broadcast_in_dim3A_388 = vector.broadcast %jit3A_387 : f32 to vector<16xf32>
        %select_n3A_389 = arith.select %eq3A_351, %get3A_221, %broadcast_in_dim3A_388 : vector<16xi1>, vector<16xf32>
        %add3A_390 = arith.addf %scan3A_206, %select_n3A_389 : vector<16xf32>
        %jit3A_391 = arith.constant 0.000000e+00 : f32
        %broadcast_in_dim3A_392 = vector.broadcast %jit3A_391 : f32 to vector<16xf32>
        %select_n3A_393 = arith.select %eq3A_354, %get3A_221, %broadcast_in_dim3A_392 : vector<16xi1>, vector<16xf32>
        %add3A_394 = arith.addf %scan3A_207, %select_n3A_393 : vector<16xf32>
        %jit3A_395 = arith.constant 1.000000e+00 : f32
        %jit3A_396 = arith.constant 0.000000e+00 : f32
        %broadcast_in_dim3A_397 = vector.broadcast %jit3A_395 : f32 to vector<16xf32>
        %broadcast_in_dim3A_398 = vector.broadcast %jit3A_396 : f32 to vector<16xf32>
        %select_n3A_399 = arith.select %eq3A_327, %broadcast_in_dim3A_397, %broadcast_in_dim3A_398 : vector<16xi1>, vector<16xf32>
        %add3A_400 = arith.addf %scan3A_208, %select_n3A_399 : vector<16xf32>
        %jit3A_401 = arith.constant 1.000000e+00 : f32
        %jit3A_402 = arith.constant 0.000000e+00 : f32
        %broadcast_in_dim3A_403 = vector.broadcast %jit3A_401 : f32 to vector<16xf32>
        %broadcast_in_dim3A_404 = vector.broadcast %jit3A_402 : f32 to vector<16xf32>
        %select_n3A_405 = arith.select %eq3A_330, %broadcast_in_dim3A_403, %broadcast_in_dim3A_404 : vector<16xi1>, vector<16xf32>
        %add3A_406 = arith.addf %scan3A_209, %select_n3A_405 : vector<16xf32>
        %jit3A_407 = arith.constant 1.000000e+00 : f32
        %jit3A_408 = arith.constant 0.000000e+00 : f32
        %broadcast_in_dim3A_409 = vector.broadcast %jit3A_407 : f32 to vector<16xf32>
        %broadcast_in_dim3A_410 = vector.broadcast %jit3A_408 : f32 to vector<16xf32>
        %select_n3A_411 = arith.select %eq3A_333, %broadcast_in_dim3A_409, %broadcast_in_dim3A_410 : vector<16xi1>, vector<16xf32>
        %add3A_412 = arith.addf %scan3A_210, %select_n3A_411 : vector<16xf32>
        %jit3A_413 = arith.constant 1.000000e+00 : f32
        %jit3A_414 = arith.constant 0.000000e+00 : f32
        %broadcast_in_dim3A_415 = vector.broadcast %jit3A_413 : f32 to vector<16xf32>
        %broadcast_in_dim3A_416 = vector.broadcast %jit3A_414 : f32 to vector<16xf32>
        %select_n3A_417 = arith.select %eq3A_336, %broadcast_in_dim3A_415, %broadcast_in_dim3A_416 : vector<16xi1>, vector<16xf32>
        %add3A_418 = arith.addf %scan3A_211, %select_n3A_417 : vector<16xf32>
        %jit3A_419 = arith.constant 1.000000e+00 : f32
        %jit3A_420 = arith.constant 0.000000e+00 : f32
        %broadcast_in_dim3A_421 = vector.broadcast %jit3A_419 : f32 to vector<16xf32>
        %broadcast_in_dim3A_422 = vector.broadcast %jit3A_420 : f32 to vector<16xf32>
        %select_n3A_423 = arith.select %eq3A_339, %broadcast_in_dim3A_421, %broadcast_in_dim3A_422 : vector<16xi1>, vector<16xf32>
        %add3A_424 = arith.addf %scan3A_212, %select_n3A_423 : vector<16xf32>
        %jit3A_425 = arith.constant 1.000000e+00 : f32
        %jit3A_426 = arith.constant 0.000000e+00 : f32
        %broadcast_in_dim3A_427 = vector.broadcast %jit3A_425 : f32 to vector<16xf32>
        %broadcast_in_dim3A_428 = vector.broadcast %jit3A_426 : f32 to vector<16xf32>
        %select_n3A_429 = arith.select %eq3A_342, %broadcast_in_dim3A_427, %broadcast_in_dim3A_428 : vector<16xi1>, vector<16xf32>
        %add3A_430 = arith.addf %scan3A_213, %select_n3A_429 : vector<16xf32>
        %jit3A_431 = arith.constant 1.000000e+00 : f32
        %jit3A_432 = arith.constant 0.000000e+00 : f32
        %broadcast_in_dim3A_433 = vector.broadcast %jit3A_431 : f32 to vector<16xf32>
        %broadcast_in_dim3A_434 = vector.broadcast %jit3A_432 : f32 to vector<16xf32>
        %select_n3A_435 = arith.select %eq3A_345, %broadcast_in_dim3A_433, %broadcast_in_dim3A_434 : vector<16xi1>, vector<16xf32>
        %add3A_436 = arith.addf %scan3A_214, %select_n3A_435 : vector<16xf32>
        %jit3A_437 = arith.constant 1.000000e+00 : f32
        %jit3A_438 = arith.constant 0.000000e+00 : f32
        %broadcast_in_dim3A_439 = vector.broadcast %jit3A_437 : f32 to vector<16xf32>
        %broadcast_in_dim3A_440 = vector.broadcast %jit3A_438 : f32 to vector<16xf32>
        %select_n3A_441 = arith.select %eq3A_348, %broadcast_in_dim3A_439, %broadcast_in_dim3A_440 : vector<16xi1>, vector<16xf32>
        %add3A_442 = arith.addf %scan3A_215, %select_n3A_441 : vector<16xf32>
        %jit3A_443 = arith.constant 1.000000e+00 : f32
        %jit3A_444 = arith.constant 0.000000e+00 : f32
        %broadcast_in_dim3A_445 = vector.broadcast %jit3A_443 : f32 to vector<16xf32>
        %broadcast_in_dim3A_446 = vector.broadcast %jit3A_444 : f32 to vector<16xf32>
        %select_n3A_447 = arith.select %eq3A_351, %broadcast_in_dim3A_445, %broadcast_in_dim3A_446 : vector<16xi1>, vector<16xf32>
        %add3A_448 = arith.addf %scan3A_216, %select_n3A_447 : vector<16xf32>
        %jit3A_449 = arith.constant 1.000000e+00 : f32
        %jit3A_450 = arith.constant 0.000000e+00 : f32
        %broadcast_in_dim3A_451 = vector.broadcast %jit3A_449 : f32 to vector<16xf32>
        %broadcast_in_dim3A_452 = vector.broadcast %jit3A_450 : f32 to vector<16xf32>
        %select_n3A_453 = arith.select %eq3A_354, %broadcast_in_dim3A_451, %broadcast_in_dim3A_452 : vector<16xi1>, vector<16xf32>
        %add3A_454 = arith.addf %scan3A_217, %select_n3A_453 : vector<16xf32>
        scf.yield %add3A_358, %add3A_362, %add3A_366, %add3A_370, %add3A_374, %add3A_378, %add3A_382, %add3A_386, %add3A_390, %add3A_394, %add3A_400, %add3A_406, %add3A_412, %add3A_418, %add3A_424, %add3A_430, %add3A_436, %add3A_442, %add3A_448, %add3A_454 : vector<16xf32>, vector<16xf32>, vector<16xf32>, vector<16xf32>, vector<16xf32>, vector<16xf32>, vector<16xf32>, vector<16xf32>, vector<16xf32>, vector<16xf32>, vector<16xf32>, vector<16xf32>, vector<16xf32>, vector<16xf32>, vector<16xf32>, vector<16xf32>, vector<16xf32>, vector<16xf32>, vector<16xf32>, vector<16xf32>
      }
      %scan3A_15 = arith.constant 1954 : i32
      %eq3A_16 = arith.constant 0 : i32
      %eq3A_17 = vector.broadcast %eq3A_16 : i32 to vector<16xi32>
      %eq3A_18 = arith.cmpi eq, %iota3A, %eq3A_17 : vector<16xi32>
      %reduce_sum3A = arith.constant true
      %reduce_sum3A_19 = vector.broadcast %reduce_sum3A : i1 to vector<16xi1>
      %reduce_sum3A_20 = tpu.scan <sum>, %scan3A_14#0 masked %reduce_sum3A_19 : vector<16xf32>, vector<16xi1> -> vector<16xf32>
      %reduce_sum3A_21 = vector.extract %reduce_sum3A_20[15] : f32 from vector<16xf32>
      %broadcast_in_dim3A_22 = vector.broadcast %reduce_sum3A_21 : f32 to vector<16xf32>
      %select_n3A = arith.select %eq3A_18, %broadcast_in_dim3A_22, %broadcast_in_dim3A_4 : vector<16xi1>, vector<16xf32>
      %eq3A_23 = arith.constant 0 : i32
      %eq3A_24 = vector.broadcast %eq3A_23 : i32 to vector<16xi32>
      %eq3A_25 = arith.cmpi eq, %iota3A, %eq3A_24 : vector<16xi32>
      %reduce_sum3A_26 = arith.constant true
      %reduce_sum3A_27 = vector.broadcast %reduce_sum3A_26 : i1 to vector<16xi1>
      %reduce_sum3A_28 = tpu.scan <sum>, %scan3A_14#10 masked %reduce_sum3A_27 : vector<16xf32>, vector<16xi1> -> vector<16xf32>
      %reduce_sum3A_29 = vector.extract %reduce_sum3A_28[15] : f32 from vector<16xf32>
      %broadcast_in_dim3A_30 = vector.broadcast %reduce_sum3A_29 : f32 to vector<16xf32>
      %select_n3A_31 = arith.select %eq3A_25, %broadcast_in_dim3A_30, %broadcast_in_dim3A_4 : vector<16xi1>, vector<16xf32>
      %eq3A_32 = arith.constant 1 : i32
      %eq3A_33 = vector.broadcast %eq3A_32 : i32 to vector<16xi32>
      %eq3A_34 = arith.cmpi eq, %iota3A, %eq3A_33 : vector<16xi32>
      %reduce_sum3A_35 = arith.constant true
      %reduce_sum3A_36 = vector.broadcast %reduce_sum3A_35 : i1 to vector<16xi1>
      %reduce_sum3A_37 = tpu.scan <sum>, %scan3A_14#1 masked %reduce_sum3A_36 : vector<16xf32>, vector<16xi1> -> vector<16xf32>
      %reduce_sum3A_38 = vector.extract %reduce_sum3A_37[15] : f32 from vector<16xf32>
      %broadcast_in_dim3A_39 = vector.broadcast %reduce_sum3A_38 : f32 to vector<16xf32>
      %select_n3A_40 = arith.select %eq3A_34, %broadcast_in_dim3A_39, %select_n3A : vector<16xi1>, vector<16xf32>
      %eq3A_41 = arith.constant 1 : i32
      %eq3A_42 = vector.broadcast %eq3A_41 : i32 to vector<16xi32>
      %eq3A_43 = arith.cmpi eq, %iota3A, %eq3A_42 : vector<16xi32>
      %reduce_sum3A_44 = arith.constant true
      %reduce_sum3A_45 = vector.broadcast %reduce_sum3A_44 : i1 to vector<16xi1>
      %reduce_sum3A_46 = tpu.scan <sum>, %scan3A_14#11 masked %reduce_sum3A_45 : vector<16xf32>, vector<16xi1> -> vector<16xf32>
      %reduce_sum3A_47 = vector.extract %reduce_sum3A_46[15] : f32 from vector<16xf32>
      %broadcast_in_dim3A_48 = vector.broadcast %reduce_sum3A_47 : f32 to vector<16xf32>
      %select_n3A_49 = arith.select %eq3A_43, %broadcast_in_dim3A_48, %select_n3A_31 : vector<16xi1>, vector<16xf32>
      %eq3A_50 = arith.constant 2 : i32
      %eq3A_51 = vector.broadcast %eq3A_50 : i32 to vector<16xi32>
      %eq3A_52 = arith.cmpi eq, %iota3A, %eq3A_51 : vector<16xi32>
      %reduce_sum3A_53 = arith.constant true
      %reduce_sum3A_54 = vector.broadcast %reduce_sum3A_53 : i1 to vector<16xi1>
      %reduce_sum3A_55 = tpu.scan <sum>, %scan3A_14#2 masked %reduce_sum3A_54 : vector<16xf32>, vector<16xi1> -> vector<16xf32>
      %reduce_sum3A_56 = vector.extract %reduce_sum3A_55[15] : f32 from vector<16xf32>
      %broadcast_in_dim3A_57 = vector.broadcast %reduce_sum3A_56 : f32 to vector<16xf32>
      %select_n3A_58 = arith.select %eq3A_52, %broadcast_in_dim3A_57, %select_n3A_40 : vector<16xi1>, vector<16xf32>
      %eq3A_59 = arith.constant 2 : i32
      %eq3A_60 = vector.broadcast %eq3A_59 : i32 to vector<16xi32>
      %eq3A_61 = arith.cmpi eq, %iota3A, %eq3A_60 : vector<16xi32>
      %reduce_sum3A_62 = arith.constant true
      %reduce_sum3A_63 = vector.broadcast %reduce_sum3A_62 : i1 to vector<16xi1>
      %reduce_sum3A_64 = tpu.scan <sum>, %scan3A_14#12 masked %reduce_sum3A_63 : vector<16xf32>, vector<16xi1> -> vector<16xf32>
      %reduce_sum3A_65 = vector.extract %reduce_sum3A_64[15] : f32 from vector<16xf32>
      %broadcast_in_dim3A_66 = vector.broadcast %reduce_sum3A_65 : f32 to vector<16xf32>
      %select_n3A_67 = arith.select %eq3A_61, %broadcast_in_dim3A_66, %select_n3A_49 : vector<16xi1>, vector<16xf32>
      %eq3A_68 = arith.constant 3 : i32
      %eq3A_69 = vector.broadcast %eq3A_68 : i32 to vector<16xi32>
      %eq3A_70 = arith.cmpi eq, %iota3A, %eq3A_69 : vector<16xi32>
      %reduce_sum3A_71 = arith.constant true
      %reduce_sum3A_72 = vector.broadcast %reduce_sum3A_71 : i1 to vector<16xi1>
      %reduce_sum3A_73 = tpu.scan <sum>, %scan3A_14#3 masked %reduce_sum3A_72 : vector<16xf32>, vector<16xi1> -> vector<16xf32>
      %reduce_sum3A_74 = vector.extract %reduce_sum3A_73[15] : f32 from vector<16xf32>
      %broadcast_in_dim3A_75 = vector.broadcast %reduce_sum3A_74 : f32 to vector<16xf32>
      %select_n3A_76 = arith.select %eq3A_70, %broadcast_in_dim3A_75, %select_n3A_58 : vector<16xi1>, vector<16xf32>
      %eq3A_77 = arith.constant 3 : i32
      %eq3A_78 = vector.broadcast %eq3A_77 : i32 to vector<16xi32>
      %eq3A_79 = arith.cmpi eq, %iota3A, %eq3A_78 : vector<16xi32>
      %reduce_sum3A_80 = arith.constant true
      %reduce_sum3A_81 = vector.broadcast %reduce_sum3A_80 : i1 to vector<16xi1>
      %reduce_sum3A_82 = tpu.scan <sum>, %scan3A_14#13 masked %reduce_sum3A_81 : vector<16xf32>, vector<16xi1> -> vector<16xf32>
      %reduce_sum3A_83 = vector.extract %reduce_sum3A_82[15] : f32 from vector<16xf32>
      %broadcast_in_dim3A_84 = vector.broadcast %reduce_sum3A_83 : f32 to vector<16xf32>
      %select_n3A_85 = arith.select %eq3A_79, %broadcast_in_dim3A_84, %select_n3A_67 : vector<16xi1>, vector<16xf32>
      %eq3A_86 = arith.constant 4 : i32
      %eq3A_87 = vector.broadcast %eq3A_86 : i32 to vector<16xi32>
      %eq3A_88 = arith.cmpi eq, %iota3A, %eq3A_87 : vector<16xi32>
      %reduce_sum3A_89 = arith.constant true
      %reduce_sum3A_90 = vector.broadcast %reduce_sum3A_89 : i1 to vector<16xi1>
      %reduce_sum3A_91 = tpu.scan <sum>, %scan3A_14#4 masked %reduce_sum3A_90 : vector<16xf32>, vector<16xi1> -> vector<16xf32>
      %reduce_sum3A_92 = vector.extract %reduce_sum3A_91[15] : f32 from vector<16xf32>
      %broadcast_in_dim3A_93 = vector.broadcast %reduce_sum3A_92 : f32 to vector<16xf32>
      %select_n3A_94 = arith.select %eq3A_88, %broadcast_in_dim3A_93, %select_n3A_76 : vector<16xi1>, vector<16xf32>
      %eq3A_95 = arith.constant 4 : i32
      %eq3A_96 = vector.broadcast %eq3A_95 : i32 to vector<16xi32>
      %eq3A_97 = arith.cmpi eq, %iota3A, %eq3A_96 : vector<16xi32>
      %reduce_sum3A_98 = arith.constant true
      %reduce_sum3A_99 = vector.broadcast %reduce_sum3A_98 : i1 to vector<16xi1>
      %reduce_sum3A_100 = tpu.scan <sum>, %scan3A_14#14 masked %reduce_sum3A_99 : vector<16xf32>, vector<16xi1> -> vector<16xf32>
      %reduce_sum3A_101 = vector.extract %reduce_sum3A_100[15] : f32 from vector<16xf32>
      %broadcast_in_dim3A_102 = vector.broadcast %reduce_sum3A_101 : f32 to vector<16xf32>
      %select_n3A_103 = arith.select %eq3A_97, %broadcast_in_dim3A_102, %select_n3A_85 : vector<16xi1>, vector<16xf32>
      %eq3A_104 = arith.constant 5 : i32
      %eq3A_105 = vector.broadcast %eq3A_104 : i32 to vector<16xi32>
      %eq3A_106 = arith.cmpi eq, %iota3A, %eq3A_105 : vector<16xi32>
      %reduce_sum3A_107 = arith.constant true
      %reduce_sum3A_108 = vector.broadcast %reduce_sum3A_107 : i1 to vector<16xi1>
      %reduce_sum3A_109 = tpu.scan <sum>, %scan3A_14#5 masked %reduce_sum3A_108 : vector<16xf32>, vector<16xi1> -> vector<16xf32>
      %reduce_sum3A_110 = vector.extract %reduce_sum3A_109[15] : f32 from vector<16xf32>
      %broadcast_in_dim3A_111 = vector.broadcast %reduce_sum3A_110 : f32 to vector<16xf32>
      %select_n3A_112 = arith.select %eq3A_106, %broadcast_in_dim3A_111, %select_n3A_94 : vector<16xi1>, vector<16xf32>
      %eq3A_113 = arith.constant 5 : i32
      %eq3A_114 = vector.broadcast %eq3A_113 : i32 to vector<16xi32>
      %eq3A_115 = arith.cmpi eq, %iota3A, %eq3A_114 : vector<16xi32>
      %reduce_sum3A_116 = arith.constant true
      %reduce_sum3A_117 = vector.broadcast %reduce_sum3A_116 : i1 to vector<16xi1>
      %reduce_sum3A_118 = tpu.scan <sum>, %scan3A_14#15 masked %reduce_sum3A_117 : vector<16xf32>, vector<16xi1> -> vector<16xf32>
      %reduce_sum3A_119 = vector.extract %reduce_sum3A_118[15] : f32 from vector<16xf32>
      %broadcast_in_dim3A_120 = vector.broadcast %reduce_sum3A_119 : f32 to vector<16xf32>
      %select_n3A_121 = arith.select %eq3A_115, %broadcast_in_dim3A_120, %select_n3A_103 : vector<16xi1>, vector<16xf32>
      %eq3A_122 = arith.constant 6 : i32
      %eq3A_123 = vector.broadcast %eq3A_122 : i32 to vector<16xi32>
      %eq3A_124 = arith.cmpi eq, %iota3A, %eq3A_123 : vector<16xi32>
      %reduce_sum3A_125 = arith.constant true
      %reduce_sum3A_126 = vector.broadcast %reduce_sum3A_125 : i1 to vector<16xi1>
      %reduce_sum3A_127 = tpu.scan <sum>, %scan3A_14#6 masked %reduce_sum3A_126 : vector<16xf32>, vector<16xi1> -> vector<16xf32>
      %reduce_sum3A_128 = vector.extract %reduce_sum3A_127[15] : f32 from vector<16xf32>
      %broadcast_in_dim3A_129 = vector.broadcast %reduce_sum3A_128 : f32 to vector<16xf32>
      %select_n3A_130 = arith.select %eq3A_124, %broadcast_in_dim3A_129, %select_n3A_112 : vector<16xi1>, vector<16xf32>
      %eq3A_131 = arith.constant 6 : i32
      %eq3A_132 = vector.broadcast %eq3A_131 : i32 to vector<16xi32>
      %eq3A_133 = arith.cmpi eq, %iota3A, %eq3A_132 : vector<16xi32>
      %reduce_sum3A_134 = arith.constant true
      %reduce_sum3A_135 = vector.broadcast %reduce_sum3A_134 : i1 to vector<16xi1>
      %reduce_sum3A_136 = tpu.scan <sum>, %scan3A_14#16 masked %reduce_sum3A_135 : vector<16xf32>, vector<16xi1> -> vector<16xf32>
      %reduce_sum3A_137 = vector.extract %reduce_sum3A_136[15] : f32 from vector<16xf32>
      %broadcast_in_dim3A_138 = vector.broadcast %reduce_sum3A_137 : f32 to vector<16xf32>
      %select_n3A_139 = arith.select %eq3A_133, %broadcast_in_dim3A_138, %select_n3A_121 : vector<16xi1>, vector<16xf32>
      %eq3A_140 = arith.constant 7 : i32
      %eq3A_141 = vector.broadcast %eq3A_140 : i32 to vector<16xi32>
      %eq3A_142 = arith.cmpi eq, %iota3A, %eq3A_141 : vector<16xi32>
      %reduce_sum3A_143 = arith.constant true
      %reduce_sum3A_144 = vector.broadcast %reduce_sum3A_143 : i1 to vector<16xi1>
      %reduce_sum3A_145 = tpu.scan <sum>, %scan3A_14#7 masked %reduce_sum3A_144 : vector<16xf32>, vector<16xi1> -> vector<16xf32>
      %reduce_sum3A_146 = vector.extract %reduce_sum3A_145[15] : f32 from vector<16xf32>
      %broadcast_in_dim3A_147 = vector.broadcast %reduce_sum3A_146 : f32 to vector<16xf32>
      %select_n3A_148 = arith.select %eq3A_142, %broadcast_in_dim3A_147, %select_n3A_130 : vector<16xi1>, vector<16xf32>
      %eq3A_149 = arith.constant 7 : i32
      %eq3A_150 = vector.broadcast %eq3A_149 : i32 to vector<16xi32>
      %eq3A_151 = arith.cmpi eq, %iota3A, %eq3A_150 : vector<16xi32>
      %reduce_sum3A_152 = arith.constant true
      %reduce_sum3A_153 = vector.broadcast %reduce_sum3A_152 : i1 to vector<16xi1>
      %reduce_sum3A_154 = tpu.scan <sum>, %scan3A_14#17 masked %reduce_sum3A_153 : vector<16xf32>, vector<16xi1> -> vector<16xf32>
      %reduce_sum3A_155 = vector.extract %reduce_sum3A_154[15] : f32 from vector<16xf32>
      %broadcast_in_dim3A_156 = vector.broadcast %reduce_sum3A_155 : f32 to vector<16xf32>
      %select_n3A_157 = arith.select %eq3A_151, %broadcast_in_dim3A_156, %select_n3A_139 : vector<16xi1>, vector<16xf32>
      %eq3A_158 = arith.constant 8 : i32
      %eq3A_159 = vector.broadcast %eq3A_158 : i32 to vector<16xi32>
      %eq3A_160 = arith.cmpi eq, %iota3A, %eq3A_159 : vector<16xi32>
      %reduce_sum3A_161 = arith.constant true
      %reduce_sum3A_162 = vector.broadcast %reduce_sum3A_161 : i1 to vector<16xi1>
      %reduce_sum3A_163 = tpu.scan <sum>, %scan3A_14#8 masked %reduce_sum3A_162 : vector<16xf32>, vector<16xi1> -> vector<16xf32>
      %reduce_sum3A_164 = vector.extract %reduce_sum3A_163[15] : f32 from vector<16xf32>
      %broadcast_in_dim3A_165 = vector.broadcast %reduce_sum3A_164 : f32 to vector<16xf32>
      %select_n3A_166 = arith.select %eq3A_160, %broadcast_in_dim3A_165, %select_n3A_148 : vector<16xi1>, vector<16xf32>
      %eq3A_167 = arith.constant 8 : i32
      %eq3A_168 = vector.broadcast %eq3A_167 : i32 to vector<16xi32>
      %eq3A_169 = arith.cmpi eq, %iota3A, %eq3A_168 : vector<16xi32>
      %reduce_sum3A_170 = arith.constant true
      %reduce_sum3A_171 = vector.broadcast %reduce_sum3A_170 : i1 to vector<16xi1>
      %reduce_sum3A_172 = tpu.scan <sum>, %scan3A_14#18 masked %reduce_sum3A_171 : vector<16xf32>, vector<16xi1> -> vector<16xf32>
      %reduce_sum3A_173 = vector.extract %reduce_sum3A_172[15] : f32 from vector<16xf32>
      %broadcast_in_dim3A_174 = vector.broadcast %reduce_sum3A_173 : f32 to vector<16xf32>
      %select_n3A_175 = arith.select %eq3A_169, %broadcast_in_dim3A_174, %select_n3A_157 : vector<16xi1>, vector<16xf32>
      %eq3A_176 = arith.constant 9 : i32
      %eq3A_177 = vector.broadcast %eq3A_176 : i32 to vector<16xi32>
      %eq3A_178 = arith.cmpi eq, %iota3A, %eq3A_177 : vector<16xi32>
      %reduce_sum3A_179 = arith.constant true
      %reduce_sum3A_180 = vector.broadcast %reduce_sum3A_179 : i1 to vector<16xi1>
      %reduce_sum3A_181 = tpu.scan <sum>, %scan3A_14#9 masked %reduce_sum3A_180 : vector<16xf32>, vector<16xi1> -> vector<16xf32>
      %reduce_sum3A_182 = vector.extract %reduce_sum3A_181[15] : f32 from vector<16xf32>
      %broadcast_in_dim3A_183 = vector.broadcast %reduce_sum3A_182 : f32 to vector<16xf32>
      %select_n3A_184 = arith.select %eq3A_178, %broadcast_in_dim3A_183, %select_n3A_166 : vector<16xi1>, vector<16xf32>
      %eq3A_185 = arith.constant 9 : i32
      %eq3A_186 = vector.broadcast %eq3A_185 : i32 to vector<16xi32>
      %eq3A_187 = arith.cmpi eq, %iota3A, %eq3A_186 : vector<16xi32>
      %reduce_sum3A_188 = arith.constant true
      %reduce_sum3A_189 = vector.broadcast %reduce_sum3A_188 : i1 to vector<16xi1>
      %reduce_sum3A_190 = tpu.scan <sum>, %scan3A_14#19 masked %reduce_sum3A_189 : vector<16xf32>, vector<16xi1> -> vector<16xf32>
      %reduce_sum3A_191 = vector.extract %reduce_sum3A_190[15] : f32 from vector<16xf32>
      %broadcast_in_dim3A_192 = vector.broadcast %reduce_sum3A_191 : f32 to vector<16xf32>
      %select_n3A_193 = arith.select %eq3A_187, %broadcast_in_dim3A_192, %select_n3A_175 : vector<16xi1>, vector<16xf32>
      %swap3A = arith.constant 0 : index
      %swap3A_194 = tpu.vector_load %arg7[%swap3A] {strides = array<i32>} : memref<16xf32, #tpu.memory_space<vmem>>, vector<16xf32>,
      tpu.vector_store %arg7[%swap3A], %select_n3A_184 {strides = array<i32>} : memref<16xf32, #tpu.memory_space<vmem>>, vector<16xf32>,
      %swap3A_195 = arith.constant 0 : index
      %swap3A_196 = tpu.vector_load %arg8[%swap3A_195] {strides = array<i32>} : memref<16xf32, #tpu.memory_space<vmem>>, vector<16xf32>,
      tpu.vector_store %arg8[%swap3A_195], %select_n3A_193 {strides = array<i32>} : memref<16xf32, #tpu.memory_space<vmem>>, vector<16xf32>,
    } else {
    }
    %eq3A = arith.constant 31 : i32
    %eq3A_7 = arith.cmpi eq, %add3A, %eq3A : i32
    %convert_element_type3A_8 = arith.extui %eq3A_7 : i1 to i32
    %cond3A_9 = arith.constant 0 : i32
    %cond3A_10 = arith.cmpi ne, %convert_element_type3A_8, %cond3A_9 : i32
    scf.if %cond3A_10 {
      "tpu.region"() ({
        %run_scoped3A_197 = tpu.sem_alloc : memref<!tpu.dma_semaphore, #tpu.memory_space<semaphore_mem>>
        %dma_start3A = arith.constant 0 : i32
        %dma_start3A_198 = tpu.memref_slice %arg6[%dma_start3A] : memref<31264xf32, #tpu.memory_space<vmem>> -> memref<30816xf32, #tpu.memory_space<vmem>>
        %dma_start3A_199 = tpu.memref_slice %arg2[%mul3A_2] : memref<1000000xf32, #tpu.memory_space<hbm>> -> memref<30816xf32, #tpu.memory_space<hbm>>
        %dma_start3A_200 = arith.constant 0 : i32
        %dma_start3A_201 = tpu.memref_slice %arg6[%dma_start3A_200] : memref<31264xf32, #tpu.memory_space<vmem>> -> memref<30816xf32, #tpu.memory_space<vmem>>
        %dma_start3A_202 = tpu.memref_slice %arg2[%mul3A_2] : memref<1000000xf32, #tpu.memory_space<hbm>> -> memref<30816xf32, #tpu.memory_space<hbm>>
        tpu.enqueue_dma source(%dma_start3A_202 : memref<30816xf32, #tpu.memory_space<hbm>>) target(%dma_start3A_201 : memref<30816xf32, #tpu.memory_space<vmem>>) target_semaphore(%run_scoped3A_197 : memref<!tpu.dma_semaphore, #tpu.memory_space<semaphore_mem>>)
        %dma_wait3A = arith.constant 0 : i32
        %dma_wait3A_203 = tpu.memref_slice %arg6[%dma_wait3A] : memref<31264xf32, #tpu.memory_space<vmem>> -> memref<30816xf32, #tpu.memory_space<vmem>>
        %dma_wait3A_204 = tpu.memref_slice %arg2[%mul3A_2] : memref<1000000xf32, #tpu.memory_space<hbm>> -> memref<30816xf32, #tpu.memory_space<hbm>>
        %dma_wait3A_205 = arith.constant 0 : i32
        %dma_wait3A_206 = tpu.memref_slice %arg6[%dma_wait3A_205] : memref<31264xf32, #tpu.memory_space<vmem>> -> memref<30816xf32, #tpu.memory_space<vmem>>
        %dma_wait3A_207 = tpu.memref_slice %arg2[%mul3A_2] : memref<1000000xf32, #tpu.memory_space<hbm>> -> memref<30816xf32, #tpu.memory_space<hbm>>
        tpu.wait_dma2 semaphore(%run_scoped3A_197 : memref<!tpu.dma_semaphore, #tpu.memory_space<semaphore_mem>>) src(%dma_wait3A_207 : memref<30816xf32, #tpu.memory_space<hbm>>) dst(%dma_wait3A_206 : memref<30816xf32, #tpu.memory_space<vmem>>)
        tpu.yield
      }) : () -> ()
      %scan3A = arith.constant 0 : i32
      %scan3A_11 = arith.constant 1926 : i32
      %scan3A_12 = arith.addi %scan3A, %scan3A_11 : i32
      %scan3A_13 = arith.constant 1 : i32
      %scan3A_14:20 = scf.for %scan3A_197 = %scan3A to %scan3A_12 step %scan3A_13 iter_args(%scan3A_198 = %broadcast_in_dim3A_4, %scan3A_199 = %broadcast_in_dim3A_4, %scan3A_200 = %broadcast_in_dim3A_4, %scan3A_201 = %broadcast_in_dim3A_4, %scan3A_202 = %broadcast_in_dim3A_4, %scan3A_203 = %broadcast_in_dim3A_4, %scan3A_204 = %broadcast_in_dim3A_4, %scan3A_205 = %broadcast_in_dim3A_4, %scan3A_206 = %broadcast_in_dim3A_4, %scan3A_207 = %broadcast_in_dim3A_4, %scan3A_208 = %broadcast_in_dim3A_4, %scan3A_209 = %broadcast_in_dim3A_4, %scan3A_210 = %broadcast_in_dim3A_4, %scan3A_211 = %broadcast_in_dim3A_4, %scan3A_212 = %broadcast_in_dim3A_4, %scan3A_213 = %broadcast_in_dim3A_4, %scan3A_214 = %broadcast_in_dim3A_4, %scan3A_215 = %broadcast_in_dim3A_4, %scan3A_216 = %broadcast_in_dim3A_4, %scan3A_217 = %broadcast_in_dim3A_4) -> (vector<16xf32>, vector<16xf32>, vector<16xf32>, vector<16xf32>, vector<16xf32>, vector<16xf32>, vector<16xf32>, vector<16xf32>, vector<16xf32>, vector<16xf32>, vector<16xf32>, vector<16xf32>, vector<16xf32>, vector<16xf32>, vector<16xf32>, vector<16xf32>, vector<16xf32>, vector<16xf32>, vector<16xf32>, vector<16xf32>)  : i32 {
        %mul3A_218 = arith.constant 16 : i32
        %mul3A_219 = arith.muli %scan3A_197, %mul3A_218 : i32
        %get3A_220 = arith.index_cast %mul3A_219 : i32 to index
        %get3A_221 = tpu.vector_load %arg6[%get3A_220] {strides = array<i32>} : memref<31264xf32, #tpu.memory_space<vmem>>, vector<16xf32>,
        %div3A = arith.divf %get3A_221, %get3A_3 : vector<16xf32>
        %broadcast_in_dim3A_222 = arith.constant -1 : i32
        %broadcast_in_dim3A_223 = vector.broadcast %broadcast_in_dim3A_222 : i32 to vector<16xi32>
        %ge3A = arith.constant 0.000000e+00 : f32
        %ge3A_224 = vector.broadcast %ge3A : f32 to vector<16xf32>
        %ge3A_225 = arith.cmpf oge, %div3A, %ge3A_224 : vector<16xf32>
        %jit3A = arith.constant 1 : i32
        %jit3A_226 = arith.constant 0 : i32
        %broadcast_in_dim3A_227 = vector.broadcast %jit3A : i32 to vector<16xi32>
        %broadcast_in_dim3A_228 = vector.broadcast %jit3A_226 : i32 to vector<16xi32>
        %select_n3A_229 = arith.select %ge3A_225, %broadcast_in_dim3A_227, %broadcast_in_dim3A_228 : vector<16xi1>, vector<16xi32>
        %add3A_230 = arith.addi %broadcast_in_dim3A_223, %select_n3A_229 : vector<16xi32>
        %ge3A_231 = arith.constant 1.000000e-01 : f32
        %ge3A_232 = vector.broadcast %ge3A_231 : f32 to vector<16xf32>
        %ge3A_233 = arith.cmpf oge, %div3A, %ge3A_232 : vector<16xf32>
        %jit3A_234 = arith.constant 1 : i32
        %jit3A_235 = arith.constant 0 : i32
        %broadcast_in_dim3A_236 = vector.broadcast %jit3A_234 : i32 to vector<16xi32>
        %broadcast_in_dim3A_237 = vector.broadcast %jit3A_235 : i32 to vector<16xi32>
        %select_n3A_238 = arith.select %ge3A_233, %broadcast_in_dim3A_236, %broadcast_in_dim3A_237 : vector<16xi1>, vector<16xi32>
        %add3A_239 = arith.addi %add3A_230, %select_n3A_238 : vector<16xi32>
        %ge3A_240 = arith.constant 2.000000e-01 : f32
        %ge3A_241 = vector.broadcast %ge3A_240 : f32 to vector<16xf32>
        %ge3A_242 = arith.cmpf oge, %div3A, %ge3A_241 : vector<16xf32>
        %jit3A_243 = arith.constant 1 : i32
        %jit3A_244 = arith.constant 0 : i32
        %broadcast_in_dim3A_245 = vector.broadcast %jit3A_243 : i32 to vector<16xi32>
        %broadcast_in_dim3A_246 = vector.broadcast %jit3A_244 : i32 to vector<16xi32>
        %select_n3A_247 = arith.select %ge3A_242, %broadcast_in_dim3A_245, %broadcast_in_dim3A_246 : vector<16xi1>, vector<16xi32>
        %add3A_248 = arith.addi %add3A_239, %select_n3A_247 : vector<16xi32>
        %ge3A_249 = arith.constant 3.000000e-01 : f32
        %ge3A_250 = vector.broadcast %ge3A_249 : f32 to vector<16xf32>
        %ge3A_251 = arith.cmpf oge, %div3A, %ge3A_250 : vector<16xf32>
        %jit3A_252 = arith.constant 1 : i32
        %jit3A_253 = arith.constant 0 : i32
        %broadcast_in_dim3A_254 = vector.broadcast %jit3A_252 : i32 to vector<16xi32>
        %broadcast_in_dim3A_255 = vector.broadcast %jit3A_253 : i32 to vector<16xi32>
        %select_n3A_256 = arith.select %ge3A_251, %broadcast_in_dim3A_254, %broadcast_in_dim3A_255 : vector<16xi1>, vector<16xi32>
        %add3A_257 = arith.addi %add3A_248, %select_n3A_256 : vector<16xi32>
        %ge3A_258 = arith.constant 4.000000e-01 : f32
        %ge3A_259 = vector.broadcast %ge3A_258 : f32 to vector<16xf32>
        %ge3A_260 = arith.cmpf oge, %div3A, %ge3A_259 : vector<16xf32>
        %jit3A_261 = arith.constant 1 : i32
        %jit3A_262 = arith.constant 0 : i32
        %broadcast_in_dim3A_263 = vector.broadcast %jit3A_261 : i32 to vector<16xi32>
        %broadcast_in_dim3A_264 = vector.broadcast %jit3A_262 : i32 to vector<16xi32>
        %select_n3A_265 = arith.select %ge3A_260, %broadcast_in_dim3A_263, %broadcast_in_dim3A_264 : vector<16xi1>, vector<16xi32>
        %add3A_266 = arith.addi %add3A_257, %select_n3A_265 : vector<16xi32>
        %ge3A_267 = arith.constant 5.000000e-01 : f32
        %ge3A_268 = vector.broadcast %ge3A_267 : f32 to vector<16xf32>
        %ge3A_269 = arith.cmpf oge, %div3A, %ge3A_268 : vector<16xf32>
        %jit3A_270 = arith.constant 1 : i32
        %jit3A_271 = arith.constant 0 : i32
        %broadcast_in_dim3A_272 = vector.broadcast %jit3A_270 : i32 to vector<16xi32>
        %broadcast_in_dim3A_273 = vector.broadcast %jit3A_271 : i32 to vector<16xi32>
        %select_n3A_274 = arith.select %ge3A_269, %broadcast_in_dim3A_272, %broadcast_in_dim3A_273 : vector<16xi1>, vector<16xi32>
        %add3A_275 = arith.addi %add3A_266, %select_n3A_274 : vector<16xi32>
        %ge3A_276 = arith.constant 6.000000e-01 : f32
        %ge3A_277 = vector.broadcast %ge3A_276 : f32 to vector<16xf32>
        %ge3A_278 = arith.cmpf oge, %div3A, %ge3A_277 : vector<16xf32>
        %jit3A_279 = arith.constant 1 : i32
        %jit3A_280 = arith.constant 0 : i32
        %broadcast_in_dim3A_281 = vector.broadcast %jit3A_279 : i32 to vector<16xi32>
        %broadcast_in_dim3A_282 = vector.broadcast %jit3A_280 : i32 to vector<16xi32>
        %select_n3A_283 = arith.select %ge3A_278, %broadcast_in_dim3A_281, %broadcast_in_dim3A_282 : vector<16xi1>, vector<16xi32>
        %add3A_284 = arith.addi %add3A_275, %select_n3A_283 : vector<16xi32>
        %ge3A_285 = arith.constant 0.699999988 : f32
        %ge3A_286 = vector.broadcast %ge3A_285 : f32 to vector<16xf32>
        %ge3A_287 = arith.cmpf oge, %div3A, %ge3A_286 : vector<16xf32>
        %jit3A_288 = arith.constant 1 : i32
        %jit3A_289 = arith.constant 0 : i32
        %broadcast_in_dim3A_290 = vector.broadcast %jit3A_288 : i32 to vector<16xi32>
        %broadcast_in_dim3A_291 = vector.broadcast %jit3A_289 : i32 to vector<16xi32>
        %select_n3A_292 = arith.select %ge3A_287, %broadcast_in_dim3A_290, %broadcast_in_dim3A_291 : vector<16xi1>, vector<16xi32>
        %add3A_293 = arith.addi %add3A_284, %select_n3A_292 : vector<16xi32>
        %ge3A_294 = arith.constant 8.000000e-01 : f32
        %ge3A_295 = vector.broadcast %ge3A_294 : f32 to vector<16xf32>
        %ge3A_296 = arith.cmpf oge, %div3A, %ge3A_295 : vector<16xf32>
        %jit3A_297 = arith.constant 1 : i32
        %jit3A_298 = arith.constant 0 : i32
        %broadcast_in_dim3A_299 = vector.broadcast %jit3A_297 : i32 to vector<16xi32>
        %broadcast_in_dim3A_300 = vector.broadcast %jit3A_298 : i32 to vector<16xi32>
        %select_n3A_301 = arith.select %ge3A_296, %broadcast_in_dim3A_299, %broadcast_in_dim3A_300 : vector<16xi1>, vector<16xi32>
        %add3A_302 = arith.addi %add3A_293, %select_n3A_301 : vector<16xi32>
        %ge3A_303 = arith.constant 0.899999976 : f32
        %ge3A_304 = vector.broadcast %ge3A_303 : f32 to vector<16xf32>
        %ge3A_305 = arith.cmpf oge, %div3A, %ge3A_304 : vector<16xf32>
        %jit3A_306 = arith.constant 1 : i32
        %jit3A_307 = arith.constant 0 : i32
        %broadcast_in_dim3A_308 = vector.broadcast %jit3A_306 : i32 to vector<16xi32>
        %broadcast_in_dim3A_309 = vector.broadcast %jit3A_307 : i32 to vector<16xi32>
        %select_n3A_310 = arith.select %ge3A_305, %broadcast_in_dim3A_308, %broadcast_in_dim3A_309 : vector<16xi1>, vector<16xi32>
        %add3A_311 = arith.addi %add3A_302, %select_n3A_310 : vector<16xi32>
        %ge3A_312 = arith.constant 1.00000095 : f32
        %ge3A_313 = vector.broadcast %ge3A_312 : f32 to vector<16xf32>
        %ge3A_314 = arith.cmpf oge, %div3A, %ge3A_313 : vector<16xf32>
        %jit3A_315 = arith.constant 1 : i32
        %jit3A_316 = arith.constant 0 : i32
        %broadcast_in_dim3A_317 = vector.broadcast %jit3A_315 : i32 to vector<16xi32>
        %broadcast_in_dim3A_318 = vector.broadcast %jit3A_316 : i32 to vector<16xi32>
        %select_n3A_319 = arith.select %ge3A_314, %broadcast_in_dim3A_317, %broadcast_in_dim3A_318 : vector<16xi1>, vector<16xi32>
        %add3A_320 = arith.addi %add3A_311, %select_n3A_319 : vector<16xi32>
        %jit3A_321 = arith.constant 0 : i32
        %jit3A_322 = arith.constant 9 : i32
        %max3A = vector.broadcast %jit3A_321 : i32 to vector<16xi32>
        %max3A_323 = arith.maxsi %max3A, %add3A_320 : vector<16xi32>
        %min3A = vector.broadcast %jit3A_322 : i32 to vector<16xi32>
        %min3A_324 = arith.minsi %min3A, %max3A_323 : vector<16xi32>
        %eq3A_325 = arith.constant 0 : i32
        %eq3A_326 = vector.broadcast %eq3A_325 : i32 to vector<16xi32>
        %eq3A_327 = arith.cmpi eq, %min3A_324, %eq3A_326 : vector<16xi32>
        %eq3A_328 = arith.constant 1 : i32
        %eq3A_329 = vector.broadcast %eq3A_328 : i32 to vector<16xi32>
        %eq3A_330 = arith.cmpi eq, %min3A_324, %eq3A_329 : vector<16xi32>
        %eq3A_331 = arith.constant 2 : i32
        %eq3A_332 = vector.broadcast %eq3A_331 : i32 to vector<16xi32>
        %eq3A_333 = arith.cmpi eq, %min3A_324, %eq3A_332 : vector<16xi32>
        %eq3A_334 = arith.constant 3 : i32
        %eq3A_335 = vector.broadcast %eq3A_334 : i32 to vector<16xi32>
        %eq3A_336 = arith.cmpi eq, %min3A_324, %eq3A_335 : vector<16xi32>
        %eq3A_337 = arith.constant 4 : i32
        %eq3A_338 = vector.broadcast %eq3A_337 : i32 to vector<16xi32>
        %eq3A_339 = arith.cmpi eq, %min3A_324, %eq3A_338 : vector<16xi32>
        %eq3A_340 = arith.constant 5 : i32
        %eq3A_341 = vector.broadcast %eq3A_340 : i32 to vector<16xi32>
        %eq3A_342 = arith.cmpi eq, %min3A_324, %eq3A_341 : vector<16xi32>
        %eq3A_343 = arith.constant 6 : i32
        %eq3A_344 = vector.broadcast %eq3A_343 : i32 to vector<16xi32>
        %eq3A_345 = arith.cmpi eq, %min3A_324, %eq3A_344 : vector<16xi32>
        %eq3A_346 = arith.constant 7 : i32
        %eq3A_347 = vector.broadcast %eq3A_346 : i32 to vector<16xi32>
        %eq3A_348 = arith.cmpi eq, %min3A_324, %eq3A_347 : vector<16xi32>
        %eq3A_349 = arith.constant 8 : i32
        %eq3A_350 = vector.broadcast %eq3A_349 : i32 to vector<16xi32>
        %eq3A_351 = arith.cmpi eq, %min3A_324, %eq3A_350 : vector<16xi32>
        %eq3A_352 = arith.constant 9 : i32
        %eq3A_353 = vector.broadcast %eq3A_352 : i32 to vector<16xi32>
        %eq3A_354 = arith.cmpi eq, %min3A_324, %eq3A_353 : vector<16xi32>
        %jit3A_355 = arith.constant 0.000000e+00 : f32
        %broadcast_in_dim3A_356 = vector.broadcast %jit3A_355 : f32 to vector<16xf32>
        %select_n3A_357 = arith.select %eq3A_327, %get3A_221, %broadcast_in_dim3A_356 : vector<16xi1>, vector<16xf32>
        %add3A_358 = arith.addf %scan3A_198, %select_n3A_357 : vector<16xf32>
        %jit3A_359 = arith.constant 0.000000e+00 : f32
        %broadcast_in_dim3A_360 = vector.broadcast %jit3A_359 : f32 to vector<16xf32>
        %select_n3A_361 = arith.select %eq3A_330, %get3A_221, %broadcast_in_dim3A_360 : vector<16xi1>, vector<16xf32>
        %add3A_362 = arith.addf %scan3A_199, %select_n3A_361 : vector<16xf32>
        %jit3A_363 = arith.constant 0.000000e+00 : f32
        %broadcast_in_dim3A_364 = vector.broadcast %jit3A_363 : f32 to vector<16xf32>
        %select_n3A_365 = arith.select %eq3A_333, %get3A_221, %broadcast_in_dim3A_364 : vector<16xi1>, vector<16xf32>
        %add3A_366 = arith.addf %scan3A_200, %select_n3A_365 : vector<16xf32>
        %jit3A_367 = arith.constant 0.000000e+00 : f32
        %broadcast_in_dim3A_368 = vector.broadcast %jit3A_367 : f32 to vector<16xf32>
        %select_n3A_369 = arith.select %eq3A_336, %get3A_221, %broadcast_in_dim3A_368 : vector<16xi1>, vector<16xf32>
        %add3A_370 = arith.addf %scan3A_201, %select_n3A_369 : vector<16xf32>
        %jit3A_371 = arith.constant 0.000000e+00 : f32
        %broadcast_in_dim3A_372 = vector.broadcast %jit3A_371 : f32 to vector<16xf32>
        %select_n3A_373 = arith.select %eq3A_339, %get3A_221, %broadcast_in_dim3A_372 : vector<16xi1>, vector<16xf32>
        %add3A_374 = arith.addf %scan3A_202, %select_n3A_373 : vector<16xf32>
        %jit3A_375 = arith.constant 0.000000e+00 : f32
        %broadcast_in_dim3A_376 = vector.broadcast %jit3A_375 : f32 to vector<16xf32>
        %select_n3A_377 = arith.select %eq3A_342, %get3A_221, %broadcast_in_dim3A_376 : vector<16xi1>, vector<16xf32>
        %add3A_378 = arith.addf %scan3A_203, %select_n3A_377 : vector<16xf32>
        %jit3A_379 = arith.constant 0.000000e+00 : f32
        %broadcast_in_dim3A_380 = vector.broadcast %jit3A_379 : f32 to vector<16xf32>
        %select_n3A_381 = arith.select %eq3A_345, %get3A_221, %broadcast_in_dim3A_380 : vector<16xi1>, vector<16xf32>
        %add3A_382 = arith.addf %scan3A_204, %select_n3A_381 : vector<16xf32>
        %jit3A_383 = arith.constant 0.000000e+00 : f32
        %broadcast_in_dim3A_384 = vector.broadcast %jit3A_383 : f32 to vector<16xf32>
        %select_n3A_385 = arith.select %eq3A_348, %get3A_221, %broadcast_in_dim3A_384 : vector<16xi1>, vector<16xf32>
        %add3A_386 = arith.addf %scan3A_205, %select_n3A_385 : vector<16xf32>
        %jit3A_387 = arith.constant 0.000000e+00 : f32
        %broadcast_in_dim3A_388 = vector.broadcast %jit3A_387 : f32 to vector<16xf32>
        %select_n3A_389 = arith.select %eq3A_351, %get3A_221, %broadcast_in_dim3A_388 : vector<16xi1>, vector<16xf32>
        %add3A_390 = arith.addf %scan3A_206, %select_n3A_389 : vector<16xf32>
        %jit3A_391 = arith.constant 0.000000e+00 : f32
        %broadcast_in_dim3A_392 = vector.broadcast %jit3A_391 : f32 to vector<16xf32>
        %select_n3A_393 = arith.select %eq3A_354, %get3A_221, %broadcast_in_dim3A_392 : vector<16xi1>, vector<16xf32>
        %add3A_394 = arith.addf %scan3A_207, %select_n3A_393 : vector<16xf32>
        %jit3A_395 = arith.constant 1.000000e+00 : f32
        %jit3A_396 = arith.constant 0.000000e+00 : f32
        %broadcast_in_dim3A_397 = vector.broadcast %jit3A_395 : f32 to vector<16xf32>
        %broadcast_in_dim3A_398 = vector.broadcast %jit3A_396 : f32 to vector<16xf32>
        %select_n3A_399 = arith.select %eq3A_327, %broadcast_in_dim3A_397, %broadcast_in_dim3A_398 : vector<16xi1>, vector<16xf32>
        %add3A_400 = arith.addf %scan3A_208, %select_n3A_399 : vector<16xf32>
        %jit3A_401 = arith.constant 1.000000e+00 : f32
        %jit3A_402 = arith.constant 0.000000e+00 : f32
        %broadcast_in_dim3A_403 = vector.broadcast %jit3A_401 : f32 to vector<16xf32>
        %broadcast_in_dim3A_404 = vector.broadcast %jit3A_402 : f32 to vector<16xf32>
        %select_n3A_405 = arith.select %eq3A_330, %broadcast_in_dim3A_403, %broadcast_in_dim3A_404 : vector<16xi1>, vector<16xf32>
        %add3A_406 = arith.addf %scan3A_209, %select_n3A_405 : vector<16xf32>
        %jit3A_407 = arith.constant 1.000000e+00 : f32
        %jit3A_408 = arith.constant 0.000000e+00 : f32
        %broadcast_in_dim3A_409 = vector.broadcast %jit3A_407 : f32 to vector<16xf32>
        %broadcast_in_dim3A_410 = vector.broadcast %jit3A_408 : f32 to vector<16xf32>
        %select_n3A_411 = arith.select %eq3A_333, %broadcast_in_dim3A_409, %broadcast_in_dim3A_410 : vector<16xi1>, vector<16xf32>
        %add3A_412 = arith.addf %scan3A_210, %select_n3A_411 : vector<16xf32>
        %jit3A_413 = arith.constant 1.000000e+00 : f32
        %jit3A_414 = arith.constant 0.000000e+00 : f32
        %broadcast_in_dim3A_415 = vector.broadcast %jit3A_413 : f32 to vector<16xf32>
        %broadcast_in_dim3A_416 = vector.broadcast %jit3A_414 : f32 to vector<16xf32>
        %select_n3A_417 = arith.select %eq3A_336, %broadcast_in_dim3A_415, %broadcast_in_dim3A_416 : vector<16xi1>, vector<16xf32>
        %add3A_418 = arith.addf %scan3A_211, %select_n3A_417 : vector<16xf32>
        %jit3A_419 = arith.constant 1.000000e+00 : f32
        %jit3A_420 = arith.constant 0.000000e+00 : f32
        %broadcast_in_dim3A_421 = vector.broadcast %jit3A_419 : f32 to vector<16xf32>
        %broadcast_in_dim3A_422 = vector.broadcast %jit3A_420 : f32 to vector<16xf32>
        %select_n3A_423 = arith.select %eq3A_339, %broadcast_in_dim3A_421, %broadcast_in_dim3A_422 : vector<16xi1>, vector<16xf32>
        %add3A_424 = arith.addf %scan3A_212, %select_n3A_423 : vector<16xf32>
        %jit3A_425 = arith.constant 1.000000e+00 : f32
        %jit3A_426 = arith.constant 0.000000e+00 : f32
        %broadcast_in_dim3A_427 = vector.broadcast %jit3A_425 : f32 to vector<16xf32>
        %broadcast_in_dim3A_428 = vector.broadcast %jit3A_426 : f32 to vector<16xf32>
        %select_n3A_429 = arith.select %eq3A_342, %broadcast_in_dim3A_427, %broadcast_in_dim3A_428 : vector<16xi1>, vector<16xf32>
        %add3A_430 = arith.addf %scan3A_213, %select_n3A_429 : vector<16xf32>
        %jit3A_431 = arith.constant 1.000000e+00 : f32
        %jit3A_432 = arith.constant 0.000000e+00 : f32
        %broadcast_in_dim3A_433 = vector.broadcast %jit3A_431 : f32 to vector<16xf32>
        %broadcast_in_dim3A_434 = vector.broadcast %jit3A_432 : f32 to vector<16xf32>
        %select_n3A_435 = arith.select %eq3A_345, %broadcast_in_dim3A_433, %broadcast_in_dim3A_434 : vector<16xi1>, vector<16xf32>
        %add3A_436 = arith.addf %scan3A_214, %select_n3A_435 : vector<16xf32>
        %jit3A_437 = arith.constant 1.000000e+00 : f32
        %jit3A_438 = arith.constant 0.000000e+00 : f32
        %broadcast_in_dim3A_439 = vector.broadcast %jit3A_437 : f32 to vector<16xf32>
        %broadcast_in_dim3A_440 = vector.broadcast %jit3A_438 : f32 to vector<16xf32>
        %select_n3A_441 = arith.select %eq3A_348, %broadcast_in_dim3A_439, %broadcast_in_dim3A_440 : vector<16xi1>, vector<16xf32>
        %add3A_442 = arith.addf %scan3A_215, %select_n3A_441 : vector<16xf32>
        %jit3A_443 = arith.constant 1.000000e+00 : f32
        %jit3A_444 = arith.constant 0.000000e+00 : f32
        %broadcast_in_dim3A_445 = vector.broadcast %jit3A_443 : f32 to vector<16xf32>
        %broadcast_in_dim3A_446 = vector.broadcast %jit3A_444 : f32 to vector<16xf32>
        %select_n3A_447 = arith.select %eq3A_351, %broadcast_in_dim3A_445, %broadcast_in_dim3A_446 : vector<16xi1>, vector<16xf32>
        %add3A_448 = arith.addf %scan3A_216, %select_n3A_447 : vector<16xf32>
        %jit3A_449 = arith.constant 1.000000e+00 : f32
        %jit3A_450 = arith.constant 0.000000e+00 : f32
        %broadcast_in_dim3A_451 = vector.broadcast %jit3A_449 : f32 to vector<16xf32>
        %broadcast_in_dim3A_452 = vector.broadcast %jit3A_450 : f32 to vector<16xf32>
        %select_n3A_453 = arith.select %eq3A_354, %broadcast_in_dim3A_451, %broadcast_in_dim3A_452 : vector<16xi1>, vector<16xf32>
        %add3A_454 = arith.addf %scan3A_217, %select_n3A_453 : vector<16xf32>
        scf.yield %add3A_358, %add3A_362, %add3A_366, %add3A_370, %add3A_374, %add3A_378, %add3A_382, %add3A_386, %add3A_390, %add3A_394, %add3A_400, %add3A_406, %add3A_412, %add3A_418, %add3A_424, %add3A_430, %add3A_436, %add3A_442, %add3A_448, %add3A_454 : vector<16xf32>, vector<16xf32>, vector<16xf32>, vector<16xf32>, vector<16xf32>, vector<16xf32>, vector<16xf32>, vector<16xf32>, vector<16xf32>, vector<16xf32>, vector<16xf32>, vector<16xf32>, vector<16xf32>, vector<16xf32>, vector<16xf32>, vector<16xf32>, vector<16xf32>, vector<16xf32>, vector<16xf32>, vector<16xf32>
      }
      %scan3A_15 = arith.constant 1926 : i32
      %eq3A_16 = arith.constant 0 : i32
      %eq3A_17 = vector.broadcast %eq3A_16 : i32 to vector<16xi32>
      %eq3A_18 = arith.cmpi eq, %iota3A, %eq3A_17 : vector<16xi32>
      %reduce_sum3A = arith.constant true
      %reduce_sum3A_19 = vector.broadcast %reduce_sum3A : i1 to vector<16xi1>
      %reduce_sum3A_20 = tpu.scan <sum>, %scan3A_14#0 masked %reduce_sum3A_19 : vector<16xf32>, vector<16xi1> -> vector<16xf32>
      %reduce_sum3A_21 = vector.extract %reduce_sum3A_20[15] : f32 from vector<16xf32>
      %broadcast_in_dim3A_22 = vector.broadcast %reduce_sum3A_21 : f32 to vector<16xf32>
      %select_n3A = arith.select %eq3A_18, %broadcast_in_dim3A_22, %broadcast_in_dim3A_4 : vector<16xi1>, vector<16xf32>
      %eq3A_23 = arith.constant 0 : i32
      %eq3A_24 = vector.broadcast %eq3A_23 : i32 to vector<16xi32>
      %eq3A_25 = arith.cmpi eq, %iota3A, %eq3A_24 : vector<16xi32>
      %reduce_sum3A_26 = arith.constant true
      %reduce_sum3A_27 = vector.broadcast %reduce_sum3A_26 : i1 to vector<16xi1>
      %reduce_sum3A_28 = tpu.scan <sum>, %scan3A_14#10 masked %reduce_sum3A_27 : vector<16xf32>, vector<16xi1> -> vector<16xf32>
      %reduce_sum3A_29 = vector.extract %reduce_sum3A_28[15] : f32 from vector<16xf32>
      %broadcast_in_dim3A_30 = vector.broadcast %reduce_sum3A_29 : f32 to vector<16xf32>
      %select_n3A_31 = arith.select %eq3A_25, %broadcast_in_dim3A_30, %broadcast_in_dim3A_4 : vector<16xi1>, vector<16xf32>
      %eq3A_32 = arith.constant 1 : i32
      %eq3A_33 = vector.broadcast %eq3A_32 : i32 to vector<16xi32>
      %eq3A_34 = arith.cmpi eq, %iota3A, %eq3A_33 : vector<16xi32>
      %reduce_sum3A_35 = arith.constant true
      %reduce_sum3A_36 = vector.broadcast %reduce_sum3A_35 : i1 to vector<16xi1>
      %reduce_sum3A_37 = tpu.scan <sum>, %scan3A_14#1 masked %reduce_sum3A_36 : vector<16xf32>, vector<16xi1> -> vector<16xf32>
      %reduce_sum3A_38 = vector.extract %reduce_sum3A_37[15] : f32 from vector<16xf32>
      %broadcast_in_dim3A_39 = vector.broadcast %reduce_sum3A_38 : f32 to vector<16xf32>
      %select_n3A_40 = arith.select %eq3A_34, %broadcast_in_dim3A_39, %select_n3A : vector<16xi1>, vector<16xf32>
      %eq3A_41 = arith.constant 1 : i32
      %eq3A_42 = vector.broadcast %eq3A_41 : i32 to vector<16xi32>
      %eq3A_43 = arith.cmpi eq, %iota3A, %eq3A_42 : vector<16xi32>
      %reduce_sum3A_44 = arith.constant true
      %reduce_sum3A_45 = vector.broadcast %reduce_sum3A_44 : i1 to vector<16xi1>
      %reduce_sum3A_46 = tpu.scan <sum>, %scan3A_14#11 masked %reduce_sum3A_45 : vector<16xf32>, vector<16xi1> -> vector<16xf32>
      %reduce_sum3A_47 = vector.extract %reduce_sum3A_46[15] : f32 from vector<16xf32>
      %broadcast_in_dim3A_48 = vector.broadcast %reduce_sum3A_47 : f32 to vector<16xf32>
      %select_n3A_49 = arith.select %eq3A_43, %broadcast_in_dim3A_48, %select_n3A_31 : vector<16xi1>, vector<16xf32>
      %eq3A_50 = arith.constant 2 : i32
      %eq3A_51 = vector.broadcast %eq3A_50 : i32 to vector<16xi32>
      %eq3A_52 = arith.cmpi eq, %iota3A, %eq3A_51 : vector<16xi32>
      %reduce_sum3A_53 = arith.constant true
      %reduce_sum3A_54 = vector.broadcast %reduce_sum3A_53 : i1 to vector<16xi1>
      %reduce_sum3A_55 = tpu.scan <sum>, %scan3A_14#2 masked %reduce_sum3A_54 : vector<16xf32>, vector<16xi1> -> vector<16xf32>
      %reduce_sum3A_56 = vector.extract %reduce_sum3A_55[15] : f32 from vector<16xf32>
      %broadcast_in_dim3A_57 = vector.broadcast %reduce_sum3A_56 : f32 to vector<16xf32>
      %select_n3A_58 = arith.select %eq3A_52, %broadcast_in_dim3A_57, %select_n3A_40 : vector<16xi1>, vector<16xf32>
      %eq3A_59 = arith.constant 2 : i32
      %eq3A_60 = vector.broadcast %eq3A_59 : i32 to vector<16xi32>
      %eq3A_61 = arith.cmpi eq, %iota3A, %eq3A_60 : vector<16xi32>
      %reduce_sum3A_62 = arith.constant true
      %reduce_sum3A_63 = vector.broadcast %reduce_sum3A_62 : i1 to vector<16xi1>
      %reduce_sum3A_64 = tpu.scan <sum>, %scan3A_14#12 masked %reduce_sum3A_63 : vector<16xf32>, vector<16xi1> -> vector<16xf32>
      %reduce_sum3A_65 = vector.extract %reduce_sum3A_64[15] : f32 from vector<16xf32>
      %broadcast_in_dim3A_66 = vector.broadcast %reduce_sum3A_65 : f32 to vector<16xf32>
      %select_n3A_67 = arith.select %eq3A_61, %broadcast_in_dim3A_66, %select_n3A_49 : vector<16xi1>, vector<16xf32>
      %eq3A_68 = arith.constant 3 : i32
      %eq3A_69 = vector.broadcast %eq3A_68 : i32 to vector<16xi32>
      %eq3A_70 = arith.cmpi eq, %iota3A, %eq3A_69 : vector<16xi32>
      %reduce_sum3A_71 = arith.constant true
      %reduce_sum3A_72 = vector.broadcast %reduce_sum3A_71 : i1 to vector<16xi1>
      %reduce_sum3A_73 = tpu.scan <sum>, %scan3A_14#3 masked %reduce_sum3A_72 : vector<16xf32>, vector<16xi1> -> vector<16xf32>
      %reduce_sum3A_74 = vector.extract %reduce_sum3A_73[15] : f32 from vector<16xf32>
      %broadcast_in_dim3A_75 = vector.broadcast %reduce_sum3A_74 : f32 to vector<16xf32>
      %select_n3A_76 = arith.select %eq3A_70, %broadcast_in_dim3A_75, %select_n3A_58 : vector<16xi1>, vector<16xf32>
      %eq3A_77 = arith.constant 3 : i32
      %eq3A_78 = vector.broadcast %eq3A_77 : i32 to vector<16xi32>
      %eq3A_79 = arith.cmpi eq, %iota3A, %eq3A_78 : vector<16xi32>
      %reduce_sum3A_80 = arith.constant true
      %reduce_sum3A_81 = vector.broadcast %reduce_sum3A_80 : i1 to vector<16xi1>
      %reduce_sum3A_82 = tpu.scan <sum>, %scan3A_14#13 masked %reduce_sum3A_81 : vector<16xf32>, vector<16xi1> -> vector<16xf32>
      %reduce_sum3A_83 = vector.extract %reduce_sum3A_82[15] : f32 from vector<16xf32>
      %broadcast_in_dim3A_84 = vector.broadcast %reduce_sum3A_83 : f32 to vector<16xf32>
      %select_n3A_85 = arith.select %eq3A_79, %broadcast_in_dim3A_84, %select_n3A_67 : vector<16xi1>, vector<16xf32>
      %eq3A_86 = arith.constant 4 : i32
      %eq3A_87 = vector.broadcast %eq3A_86 : i32 to vector<16xi32>
      %eq3A_88 = arith.cmpi eq, %iota3A, %eq3A_87 : vector<16xi32>
      %reduce_sum3A_89 = arith.constant true
      %reduce_sum3A_90 = vector.broadcast %reduce_sum3A_89 : i1 to vector<16xi1>
      %reduce_sum3A_91 = tpu.scan <sum>, %scan3A_14#4 masked %reduce_sum3A_90 : vector<16xf32>, vector<16xi1> -> vector<16xf32>
      %reduce_sum3A_92 = vector.extract %reduce_sum3A_91[15] : f32 from vector<16xf32>
      %broadcast_in_dim3A_93 = vector.broadcast %reduce_sum3A_92 : f32 to vector<16xf32>
      %select_n3A_94 = arith.select %eq3A_88, %broadcast_in_dim3A_93, %select_n3A_76 : vector<16xi1>, vector<16xf32>
      %eq3A_95 = arith.constant 4 : i32
      %eq3A_96 = vector.broadcast %eq3A_95 : i32 to vector<16xi32>
      %eq3A_97 = arith.cmpi eq, %iota3A, %eq3A_96 : vector<16xi32>
      %reduce_sum3A_98 = arith.constant true
      %reduce_sum3A_99 = vector.broadcast %reduce_sum3A_98 : i1 to vector<16xi1>
      %reduce_sum3A_100 = tpu.scan <sum>, %scan3A_14#14 masked %reduce_sum3A_99 : vector<16xf32>, vector<16xi1> -> vector<16xf32>
      %reduce_sum3A_101 = vector.extract %reduce_sum3A_100[15] : f32 from vector<16xf32>
      %broadcast_in_dim3A_102 = vector.broadcast %reduce_sum3A_101 : f32 to vector<16xf32>
      %select_n3A_103 = arith.select %eq3A_97, %broadcast_in_dim3A_102, %select_n3A_85 : vector<16xi1>, vector<16xf32>
      %eq3A_104 = arith.constant 5 : i32
      %eq3A_105 = vector.broadcast %eq3A_104 : i32 to vector<16xi32>
      %eq3A_106 = arith.cmpi eq, %iota3A, %eq3A_105 : vector<16xi32>
      %reduce_sum3A_107 = arith.constant true
      %reduce_sum3A_108 = vector.broadcast %reduce_sum3A_107 : i1 to vector<16xi1>
      %reduce_sum3A_109 = tpu.scan <sum>, %scan3A_14#5 masked %reduce_sum3A_108 : vector<16xf32>, vector<16xi1> -> vector<16xf32>
      %reduce_sum3A_110 = vector.extract %reduce_sum3A_109[15] : f32 from vector<16xf32>
      %broadcast_in_dim3A_111 = vector.broadcast %reduce_sum3A_110 : f32 to vector<16xf32>
      %select_n3A_112 = arith.select %eq3A_106, %broadcast_in_dim3A_111, %select_n3A_94 : vector<16xi1>, vector<16xf32>
      %eq3A_113 = arith.constant 5 : i32
      %eq3A_114 = vector.broadcast %eq3A_113 : i32 to vector<16xi32>
      %eq3A_115 = arith.cmpi eq, %iota3A, %eq3A_114 : vector<16xi32>
      %reduce_sum3A_116 = arith.constant true
      %reduce_sum3A_117 = vector.broadcast %reduce_sum3A_116 : i1 to vector<16xi1>
      %reduce_sum3A_118 = tpu.scan <sum>, %scan3A_14#15 masked %reduce_sum3A_117 : vector<16xf32>, vector<16xi1> -> vector<16xf32>
      %reduce_sum3A_119 = vector.extract %reduce_sum3A_118[15] : f32 from vector<16xf32>
      %broadcast_in_dim3A_120 = vector.broadcast %reduce_sum3A_119 : f32 to vector<16xf32>
      %select_n3A_121 = arith.select %eq3A_115, %broadcast_in_dim3A_120, %select_n3A_103 : vector<16xi1>, vector<16xf32>
      %eq3A_122 = arith.constant 6 : i32
      %eq3A_123 = vector.broadcast %eq3A_122 : i32 to vector<16xi32>
      %eq3A_124 = arith.cmpi eq, %iota3A, %eq3A_123 : vector<16xi32>
      %reduce_sum3A_125 = arith.constant true
      %reduce_sum3A_126 = vector.broadcast %reduce_sum3A_125 : i1 to vector<16xi1>
      %reduce_sum3A_127 = tpu.scan <sum>, %scan3A_14#6 masked %reduce_sum3A_126 : vector<16xf32>, vector<16xi1> -> vector<16xf32>
      %reduce_sum3A_128 = vector.extract %reduce_sum3A_127[15] : f32 from vector<16xf32>
      %broadcast_in_dim3A_129 = vector.broadcast %reduce_sum3A_128 : f32 to vector<16xf32>
      %select_n3A_130 = arith.select %eq3A_124, %broadcast_in_dim3A_129, %select_n3A_112 : vector<16xi1>, vector<16xf32>
      %eq3A_131 = arith.constant 6 : i32
      %eq3A_132 = vector.broadcast %eq3A_131 : i32 to vector<16xi32>
      %eq3A_133 = arith.cmpi eq, %iota3A, %eq3A_132 : vector<16xi32>
      %reduce_sum3A_134 = arith.constant true
      %reduce_sum3A_135 = vector.broadcast %reduce_sum3A_134 : i1 to vector<16xi1>
      %reduce_sum3A_136 = tpu.scan <sum>, %scan3A_14#16 masked %reduce_sum3A_135 : vector<16xf32>, vector<16xi1> -> vector<16xf32>
      %reduce_sum3A_137 = vector.extract %reduce_sum3A_136[15] : f32 from vector<16xf32>
      %broadcast_in_dim3A_138 = vector.broadcast %reduce_sum3A_137 : f32 to vector<16xf32>
      %select_n3A_139 = arith.select %eq3A_133, %broadcast_in_dim3A_138, %select_n3A_121 : vector<16xi1>, vector<16xf32>
      %eq3A_140 = arith.constant 7 : i32
      %eq3A_141 = vector.broadcast %eq3A_140 : i32 to vector<16xi32>
      %eq3A_142 = arith.cmpi eq, %iota3A, %eq3A_141 : vector<16xi32>
      %reduce_sum3A_143 = arith.constant true
      %reduce_sum3A_144 = vector.broadcast %reduce_sum3A_143 : i1 to vector<16xi1>
      %reduce_sum3A_145 = tpu.scan <sum>, %scan3A_14#7 masked %reduce_sum3A_144 : vector<16xf32>, vector<16xi1> -> vector<16xf32>
      %reduce_sum3A_146 = vector.extract %reduce_sum3A_145[15] : f32 from vector<16xf32>
      %broadcast_in_dim3A_147 = vector.broadcast %reduce_sum3A_146 : f32 to vector<16xf32>
      %select_n3A_148 = arith.select %eq3A_142, %broadcast_in_dim3A_147, %select_n3A_130 : vector<16xi1>, vector<16xf32>
      %eq3A_149 = arith.constant 7 : i32
      %eq3A_150 = vector.broadcast %eq3A_149 : i32 to vector<16xi32>
      %eq3A_151 = arith.cmpi eq, %iota3A, %eq3A_150 : vector<16xi32>
      %reduce_sum3A_152 = arith.constant true
      %reduce_sum3A_153 = vector.broadcast %reduce_sum3A_152 : i1 to vector<16xi1>
      %reduce_sum3A_154 = tpu.scan <sum>, %scan3A_14#17 masked %reduce_sum3A_153 : vector<16xf32>, vector<16xi1> -> vector<16xf32>
      %reduce_sum3A_155 = vector.extract %reduce_sum3A_154[15] : f32 from vector<16xf32>
      %broadcast_in_dim3A_156 = vector.broadcast %reduce_sum3A_155 : f32 to vector<16xf32>
      %select_n3A_157 = arith.select %eq3A_151, %broadcast_in_dim3A_156, %select_n3A_139 : vector<16xi1>, vector<16xf32>
      %eq3A_158 = arith.constant 8 : i32
      %eq3A_159 = vector.broadcast %eq3A_158 : i32 to vector<16xi32>
      %eq3A_160 = arith.cmpi eq, %iota3A, %eq3A_159 : vector<16xi32>
      %reduce_sum3A_161 = arith.constant true
      %reduce_sum3A_162 = vector.broadcast %reduce_sum3A_161 : i1 to vector<16xi1>
      %reduce_sum3A_163 = tpu.scan <sum>, %scan3A_14#8 masked %reduce_sum3A_162 : vector<16xf32>, vector<16xi1> -> vector<16xf32>
      %reduce_sum3A_164 = vector.extract %reduce_sum3A_163[15] : f32 from vector<16xf32>
      %broadcast_in_dim3A_165 = vector.broadcast %reduce_sum3A_164 : f32 to vector<16xf32>
      %select_n3A_166 = arith.select %eq3A_160, %broadcast_in_dim3A_165, %select_n3A_148 : vector<16xi1>, vector<16xf32>
      %eq3A_167 = arith.constant 8 : i32
      %eq3A_168 = vector.broadcast %eq3A_167 : i32 to vector<16xi32>
      %eq3A_169 = arith.cmpi eq, %iota3A, %eq3A_168 : vector<16xi32>
      %reduce_sum3A_170 = arith.constant true
      %reduce_sum3A_171 = vector.broadcast %reduce_sum3A_170 : i1 to vector<16xi1>
      %reduce_sum3A_172 = tpu.scan <sum>, %scan3A_14#18 masked %reduce_sum3A_171 : vector<16xf32>, vector<16xi1> -> vector<16xf32>
      %reduce_sum3A_173 = vector.extract %reduce_sum3A_172[15] : f32 from vector<16xf32>
      %broadcast_in_dim3A_174 = vector.broadcast %reduce_sum3A_173 : f32 to vector<16xf32>
      %select_n3A_175 = arith.select %eq3A_169, %broadcast_in_dim3A_174, %select_n3A_157 : vector<16xi1>, vector<16xf32>
      %eq3A_176 = arith.constant 9 : i32
      %eq3A_177 = vector.broadcast %eq3A_176 : i32 to vector<16xi32>
      %eq3A_178 = arith.cmpi eq, %iota3A, %eq3A_177 : vector<16xi32>
      %reduce_sum3A_179 = arith.constant true
      %reduce_sum3A_180 = vector.broadcast %reduce_sum3A_179 : i1 to vector<16xi1>
      %reduce_sum3A_181 = tpu.scan <sum>, %scan3A_14#9 masked %reduce_sum3A_180 : vector<16xf32>, vector<16xi1> -> vector<16xf32>
      %reduce_sum3A_182 = vector.extract %reduce_sum3A_181[15] : f32 from vector<16xf32>
      %broadcast_in_dim3A_183 = vector.broadcast %reduce_sum3A_182 : f32 to vector<16xf32>
      %select_n3A_184 = arith.select %eq3A_178, %broadcast_in_dim3A_183, %select_n3A_166 : vector<16xi1>, vector<16xf32>
      %eq3A_185 = arith.constant 9 : i32
      %eq3A_186 = vector.broadcast %eq3A_185 : i32 to vector<16xi32>
      %eq3A_187 = arith.cmpi eq, %iota3A, %eq3A_186 : vector<16xi32>
      %reduce_sum3A_188 = arith.constant true
      %reduce_sum3A_189 = vector.broadcast %reduce_sum3A_188 : i1 to vector<16xi1>
      %reduce_sum3A_190 = tpu.scan <sum>, %scan3A_14#19 masked %reduce_sum3A_189 : vector<16xf32>, vector<16xi1> -> vector<16xf32>
      %reduce_sum3A_191 = vector.extract %reduce_sum3A_190[15] : f32 from vector<16xf32>
      %broadcast_in_dim3A_192 = vector.broadcast %reduce_sum3A_191 : f32 to vector<16xf32>
      %select_n3A_193 = arith.select %eq3A_187, %broadcast_in_dim3A_192, %select_n3A_175 : vector<16xi1>, vector<16xf32>
      %swap3A = arith.constant 0 : index
      %swap3A_194 = tpu.vector_load %arg7[%swap3A] {strides = array<i32>} : memref<16xf32, #tpu.memory_space<vmem>>, vector<16xf32>,
      tpu.vector_store %arg7[%swap3A], %select_n3A_184 {strides = array<i32>} : memref<16xf32, #tpu.memory_space<vmem>>, vector<16xf32>,
      %swap3A_195 = arith.constant 0 : index
      %swap3A_196 = tpu.vector_load %arg8[%swap3A_195] {strides = array<i32>} : memref<16xf32, #tpu.memory_space<vmem>>, vector<16xf32>,
      tpu.vector_store %arg8[%swap3A_195], %select_n3A_193 {strides = array<i32>} : memref<16xf32, #tpu.memory_space<vmem>>, vector<16xf32>,
    } else {
    }
    "tpu.region"() ({
      %run_scoped3A_11 = tpu.sem_alloc : memref<!tpu.dma_semaphore, #tpu.memory_space<semaphore_mem>>
      %dma_start3A = arith.constant 0 : i32
      %dma_start3A_12 = tpu.memref_slice %arg4[%add3A, %dma_start3A] : memref<32x16xf32, #tpu.memory_space<hbm>> -> memref<1x16xf32, #tpu.memory_space<hbm>>
      %dma_start3A_13 = tpu.memref_squeeze %dma_start3A_12 : memref<1x16xf32, #tpu.memory_space<hbm>> -> memref<16xf32, #tpu.memory_space<hbm>>
      %dma_start3A_14 = arith.constant 0 : i32
      %dma_start3A_15 = tpu.memref_slice %arg4[%add3A, %dma_start3A_14] : memref<32x16xf32, #tpu.memory_space<hbm>> -> memref<1x16xf32, #tpu.memory_space<hbm>>
      %dma_start3A_16 = tpu.memref_squeeze %dma_start3A_15 : memref<1x16xf32, #tpu.memory_space<hbm>> -> memref<16xf32, #tpu.memory_space<hbm>>
      tpu.enqueue_dma source(%arg7 : memref<16xf32, #tpu.memory_space<vmem>>) target(%dma_start3A_16 : memref<16xf32, #tpu.memory_space<hbm>>) target_semaphore(%run_scoped3A_11 : memref<!tpu.dma_semaphore, #tpu.memory_space<semaphore_mem>>)
      %dma_wait3A = arith.constant 0 : i32
      %dma_wait3A_17 = tpu.memref_slice %arg4[%add3A, %dma_wait3A] : memref<32x16xf32, #tpu.memory_space<hbm>> -> memref<1x16xf32, #tpu.memory_space<hbm>>
      %dma_wait3A_18 = tpu.memref_squeeze %dma_wait3A_17 : memref<1x16xf32, #tpu.memory_space<hbm>> -> memref<16xf32, #tpu.memory_space<hbm>>
      %dma_wait3A_19 = arith.constant 0 : i32
      %dma_wait3A_20 = tpu.memref_slice %arg4[%add3A, %dma_wait3A_19] : memref<32x16xf32, #tpu.memory_space<hbm>> -> memref<1x16xf32, #tpu.memory_space<hbm>>
      %dma_wait3A_21 = tpu.memref_squeeze %dma_wait3A_20 : memref<1x16xf32, #tpu.memory_space<hbm>> -> memref<16xf32, #tpu.memory_space<hbm>>
      tpu.wait_dma2 semaphore(%run_scoped3A_11 : memref<!tpu.dma_semaphore, #tpu.memory_space<semaphore_mem>>) src(%arg7 : memref<16xf32, #tpu.memory_space<vmem>>) dst(%dma_wait3A_21 : memref<16xf32, #tpu.memory_space<hbm>>)
      tpu.yield
    }) : () -> ()
    "tpu.region"() ({
      %run_scoped3A_11 = tpu.sem_alloc : memref<!tpu.dma_semaphore, #tpu.memory_space<semaphore_mem>>
      %dma_start3A = arith.constant 0 : i32
      %dma_start3A_12 = tpu.memref_slice %arg5[%add3A, %dma_start3A] : memref<32x16xf32, #tpu.memory_space<hbm>> -> memref<1x16xf32, #tpu.memory_space<hbm>>
      %dma_start3A_13 = tpu.memref_squeeze %dma_start3A_12 : memref<1x16xf32, #tpu.memory_space<hbm>> -> memref<16xf32, #tpu.memory_space<hbm>>
      %dma_start3A_14 = arith.constant 0 : i32
      %dma_start3A_15 = tpu.memref_slice %arg5[%add3A, %dma_start3A_14] : memref<32x16xf32, #tpu.memory_space<hbm>> -> memref<1x16xf32, #tpu.memory_space<hbm>>
      %dma_start3A_16 = tpu.memref_squeeze %dma_start3A_15 : memref<1x16xf32, #tpu.memory_space<hbm>> -> memref<16xf32, #tpu.memory_space<hbm>>
      tpu.enqueue_dma source(%arg8 : memref<16xf32, #tpu.memory_space<vmem>>) target(%dma_start3A_16 : memref<16xf32, #tpu.memory_space<hbm>>) target_semaphore(%run_scoped3A_11 : memref<!tpu.dma_semaphore, #tpu.memory_space<semaphore_mem>>)
      %dma_wait3A = arith.constant 0 : i32
      %dma_wait3A_17 = tpu.memref_slice %arg5[%add3A, %dma_wait3A] : memref<32x16xf32, #tpu.memory_space<hbm>> -> memref<1x16xf32, #tpu.memory_space<hbm>>
      %dma_wait3A_18 = tpu.memref_squeeze %dma_wait3A_17 : memref<1x16xf32, #tpu.memory_space<hbm>> -> memref<16xf32, #tpu.memory_space<hbm>>
      %dma_wait3A_19 = arith.constant 0 : i32
      %dma_wait3A_20 = tpu.memref_slice %arg5[%add3A, %dma_wait3A_19] : memref<32x16xf32, #tpu.memory_space<hbm>> -> memref<1x16xf32, #tpu.memory_space<hbm>>
      %dma_wait3A_21 = tpu.memref_squeeze %dma_wait3A_20 : memref<1x16xf32, #tpu.memory_space<hbm>> -> memref<16xf32, #tpu.memory_space<hbm>>
      tpu.wait_dma2 semaphore(%run_scoped3A_11 : memref<!tpu.dma_semaphore, #tpu.memory_space<semaphore_mem>>) src(%arg8 : memref<16xf32, #tpu.memory_space<vmem>>) dst(%dma_wait3A_21 : memref<16xf32, #tpu.memory_space<hbm>>)
      tpu.yield
    }) : () -> ()
    return
  }
}

module attributes {stable_mosaic.version = 14 : i64} {
  func.func @_loss_body(%arg0: memref<32x16xf32, #tpu.memory_space<vmem>>, %arg1: memref<32x16xf32, #tpu.memory_space<vmem>>, %arg2: memref<1x1xf32, #tpu.memory_space<smem>>) attributes {dimension_semantics = [], scalar_prefetch = 0 : i64, scratch_operands = 0 : i64, tpu.core_type = #tpu.core_type<tc>} {
    %get3A = arith.constant 0 : index
    %get3A_0 = arith.constant 0 : index
    %get3A_1 = vector.load %arg0[%get3A, %get3A_0] : memref<32x16xf32, #tpu.memory_space<vmem>>, vector<32x16xf32>
    %reduce_sum3A = arith.constant dense<0.000000e+00> : vector<16xf32>
    %reduce_sum3A_2 = vector.multi_reduction <add>, %get3A_1, %reduce_sum3A [0] : vector<32x16xf32> to vector<16xf32>
    %get3A_3 = arith.constant 0 : index
    %get3A_4 = arith.constant 0 : index
    %get3A_5 = vector.load %arg1[%get3A_3, %get3A_4] : memref<32x16xf32, #tpu.memory_space<vmem>>, vector<32x16xf32>
    %reduce_sum3A_6 = arith.constant dense<0.000000e+00> : vector<16xf32>
    %reduce_sum3A_7 = vector.multi_reduction <add>, %get3A_5, %reduce_sum3A_6 [0] : vector<32x16xf32> to vector<16xf32>
    %gt3A = arith.constant 0.000000e+00 : f32
    %gt3A_8 = vector.broadcast %gt3A : f32 to vector<16xf32>
    %gt3A_9 = arith.cmpf ogt, %reduce_sum3A_7, %gt3A_8 : vector<16xf32>
    %jit3A = arith.constant 1.000000e+00 : f32
    %jit3A_10 = arith.constant 0.000000e+00 : f32
    %broadcast_in_dim3A = vector.broadcast %jit3A : f32 to vector<16xf32>
    %broadcast_in_dim3A_11 = vector.broadcast %jit3A_10 : f32 to vector<16xf32>
    %select_n3A = arith.select %gt3A_9, %broadcast_in_dim3A, %broadcast_in_dim3A_11 : vector<16xi1>, vector<16xf32>
    %reduce_sum3A_12 = vector.shape_cast %select_n3A : vector<16xf32> to vector<1x16xf32>
    %reduce_sum3A_13 = arith.constant dense<0.000000e+00> : vector<1xf32>
    %reduce_sum3A_14 = vector.multi_reduction <add>, %reduce_sum3A_12, %reduce_sum3A_13 [1] : vector<1x16xf32> to vector<1xf32>
    %reduce_sum3A_15 = vector.shape_cast %reduce_sum3A_14 : vector<1xf32> to vector<1x1xf32>
    %reduce_sum3A_16 = vector.extract %reduce_sum3A_15[0, 0] : f32 from vector<1x1xf32>
    %max3A = arith.constant 1.000000e+00 : f32
    %max3A_17 = vector.broadcast %max3A : f32 to vector<16xf32>
    %max3A_18 = arith.maximumf %reduce_sum3A_7, %max3A_17 : vector<16xf32>
    %div3A = arith.divf %reduce_sum3A_2, %max3A_18 : vector<16xf32>
    %jit3A_19 = arith.constant 0.000000e+00 : f32
    %broadcast_in_dim3A_20 = vector.broadcast %jit3A_19 : f32 to vector<16xf32>
    %select_n3A_21 = arith.select %gt3A_9, %div3A, %broadcast_in_dim3A_20 : vector<16xi1>, vector<16xf32>
    %reduce_sum3A_22 = vector.shape_cast %select_n3A_21 : vector<16xf32> to vector<1x16xf32>
    %reduce_sum3A_23 = arith.constant dense<0.000000e+00> : vector<1xf32>
    %reduce_sum3A_24 = vector.multi_reduction <add>, %reduce_sum3A_22, %reduce_sum3A_23 [1] : vector<1x16xf32> to vector<1xf32>
    %reduce_sum3A_25 = vector.shape_cast %reduce_sum3A_24 : vector<1xf32> to vector<1x1xf32>
    %reduce_sum3A_26 = vector.extract %reduce_sum3A_25[0, 0] : f32 from vector<1x1xf32>
    %div3A_27 = arith.divf %reduce_sum3A_26, %reduce_sum3A_16 : f32
    %swap3A = arith.constant 0 : index
    %swap3A_28 = arith.constant 0 : index
    %swap3A_29 = memref.load %arg2[%swap3A, %swap3A_28] : memref<1x1xf32, #tpu.memory_space<smem>>
    memref.store %div3A_27, %arg2[%swap3A, %swap3A_28] : memref<1x1xf32, #tpu.memory_space<smem>>
    return
  }
}

module attributes {stable_mosaic.version = 14 : i64} {
  func.func @_ce_body(%arg0: i32, %arg1: memref<81x32768xf32, #tpu.memory_space<vmem>>, %arg2: memref<32768xi32, #tpu.memory_space<vmem>>, %arg3: memref<32768xf32, #tpu.memory_space<vmem>>, %arg4: memref<8x128xf32, #tpu.memory_space<vmem>>) attributes {dimension_semantics = [#tpu.dimension_semantics<arbitrary>], iteration_bounds = array<i64: 31>, scalar_prefetch = 0 : i64, scratch_operands = 0 : i64, tpu.core_type = #tpu.core_type<tc>, window_params = [{transform_indices = @transform_0, window_bounds = array<i64: 81, 32768>}, {transform_indices = @transform_1, window_bounds = array<i64: 32768>}, {transform_indices = @transform_2, window_bounds = array<i64: 32768>}, {pipeline_mode = #tpu.pipeline_mode<synchronous>, transform_indices = @transform_3, window_bounds = array<i64: 8, 128>}]} {
    %get3A = arith.constant 0 : index
    %get3A_0 = arith.constant 0 : index
    %get3A_1 = vector.load %arg1[%get3A, %get3A_0] : memref<81x32768xf32, #tpu.memory_space<vmem>>, vector<81x32768xf32>
    %get3A_2 = arith.constant 0 : index
    %get3A_3 = vector.load %arg2[%get3A_2] : memref<32768xi32, #tpu.memory_space<vmem>>, vector<32768xi32>
    %reshape3A = vector.shape_cast %get3A_3 : vector<32768xi32> to vector<1x32768xi32>
    %exp3A = math.exp %get3A_1 : vector<81x32768xf32>
    %reduce_sum3A = arith.constant dense<0.000000e+00> : vector<32768xf32>
    %reduce_sum3A_4 = vector.multi_reduction <add>, %exp3A, %reduce_sum3A [0] : vector<81x32768xf32> to vector<32768xf32>
    %broadcast_in_dim3A = vector.shape_cast %reduce_sum3A_4 : vector<32768xf32> to vector<1x32768xf32>
    %iota3A = tpu.iota {dimensions = array<i32: 0>} : vector<81x32768xi32>
    %eq3A = vector.broadcast %reshape3A : vector<1x32768xi32> to vector<81x32768xi32>
    %eq3A_5 = arith.cmpi eq, %iota3A, %eq3A : vector<81x32768xi32>
    %jit3A = arith.constant 0.000000e+00 : f32
    %broadcast_in_dim3A_6 = vector.broadcast %jit3A : f32 to vector<81x32768xf32>
    %select_n3A = arith.select %eq3A_5, %get3A_1, %broadcast_in_dim3A_6 : vector<81x32768xi1>, vector<81x32768xf32>
    %reduce_sum3A_7 = arith.constant dense<0.000000e+00> : vector<32768xf32>
    %reduce_sum3A_8 = vector.multi_reduction <add>, %select_n3A, %reduce_sum3A_7 [0] : vector<81x32768xf32> to vector<32768xf32>
    %broadcast_in_dim3A_9 = vector.shape_cast %reduce_sum3A_8 : vector<32768xf32> to vector<1x32768xf32>
    %log3A = math.log %broadcast_in_dim3A : vector<1x32768xf32>
    %sub3A = arith.subf %log3A, %broadcast_in_dim3A_9 : vector<1x32768xf32>
    %iota3A_10 = tpu.iota {dimensions = array<i32: 1>} : vector<1x32768xi32>
    %mul3A = arith.constant 32768 : i32
    %mul3A_11 = arith.muli %arg0, %mul3A : i32
    %add3A = vector.broadcast %mul3A_11 : i32 to vector<1x32768xi32>
    %add3A_12 = arith.addi %iota3A_10, %add3A : vector<1x32768xi32>
    %lt3A = arith.constant 1000000 : i32
    %lt3A_13 = vector.broadcast %lt3A : i32 to vector<1x32768xi32>
    %lt3A_14 = arith.cmpi slt, %add3A_12, %lt3A_13 : vector<1x32768xi32>
    %jit3A_15 = arith.constant 0xFF800000 : f32
    %broadcast_in_dim3A_16 = vector.broadcast %jit3A_15 : f32 to vector<1x32768xf32>
    %select_n3A_17 = arith.select %lt3A_14, %sub3A, %broadcast_in_dim3A_16 : vector<1x32768xi1>, vector<1x32768xf32>
    %reshape3A_18 = vector.shape_cast %select_n3A_17 : vector<1x32768xf32> to vector<32768xf32>
    %swap3A = arith.constant 0 : index
    %swap3A_19 = vector.load %arg3[%swap3A] : memref<32768xf32, #tpu.memory_space<vmem>>, vector<32768xf32>
    tpu.vector_store %arg3[%swap3A], %reshape3A_18 {strides = array<i32>} : memref<32768xf32, #tpu.memory_space<vmem>>, vector<32768xf32>,
    %reduce_max3A = vector.shape_cast %select_n3A_17 : vector<1x32768xf32> to vector<1x1x32768xf32>
    %reduce_max3A_20 = arith.constant dense<0xFF800000> : vector<1xf32>
    %reduce_max3A_21 = vector.multi_reduction <maximumf>, %reduce_max3A, %reduce_max3A_20 [1, 2] : vector<1x1x32768xf32> to vector<1xf32>
    %reduce_max3A_22 = vector.shape_cast %reduce_max3A_21 : vector<1xf32> to vector<1x1x1xf32>
    %reduce_max3A_23 = vector.extract %reduce_max3A_22[0, 0, 0] : f32 from vector<1x1x1xf32>
    %eq3A_24 = arith.constant 0 : i32
    %eq3A_25 = arith.cmpi eq, %arg0, %eq3A_24 : i32
    %convert_element_type3A = arith.extui %eq3A_25 : i1 to i32
    %cond3A = arith.constant 0 : i32
    %cond3A_26 = arith.cmpi ne, %convert_element_type3A, %cond3A : i32
    scf.if %cond3A_26 {
      %broadcast_in_dim3A_31 = vector.broadcast %reduce_max3A_23 : f32 to vector<8x128xf32>
      %swap3A_32 = arith.constant 0 : index
      %swap3A_33 = arith.constant 0 : index
      %swap3A_34 = vector.load %arg4[%swap3A_32, %swap3A_33] : memref<8x128xf32, #tpu.memory_space<vmem>>, vector<8x128xf32>
      tpu.vector_store %arg4[%swap3A_32, %swap3A_33], %broadcast_in_dim3A_31 {strides = array<i32>} : memref<8x128xf32, #tpu.memory_space<vmem>>, vector<8x128xf32>,
    } else {
    }
    %gt3A = arith.constant 0 : i32
    %gt3A_27 = arith.cmpi sgt, %arg0, %gt3A : i32
    %convert_element_type3A_28 = arith.extui %gt3A_27 : i1 to i32
    %cond3A_29 = arith.constant 0 : i32
    %cond3A_30 = arith.cmpi ne, %convert_element_type3A_28, %cond3A_29 : i32
    scf.if %cond3A_30 {
      %get3A_31 = arith.constant 0 : index
      %get3A_32 = arith.constant 0 : index
      %get3A_33 = vector.load %arg4[%get3A_31, %get3A_32] : memref<8x128xf32, #tpu.memory_space<vmem>>, vector<8x128xf32>
      %max3A = vector.broadcast %reduce_max3A_23 : f32 to vector<8x128xf32>
      %max3A_34 = arith.maximumf %get3A_33, %max3A : vector<8x128xf32>
      %swap3A_35 = arith.constant 0 : index
      %swap3A_36 = arith.constant 0 : index
      %swap3A_37 = vector.load %arg4[%swap3A_35, %swap3A_36] : memref<8x128xf32, #tpu.memory_space<vmem>>, vector<8x128xf32>
      tpu.vector_store %arg4[%swap3A_35, %swap3A_36], %max3A_34 {strides = array<i32>} : memref<8x128xf32, #tpu.memory_space<vmem>>, vector<8x128xf32>,
    } else {
    }
    return
  }
  func.func @transform_0(%arg0: i32) -> (i32, i32) {
    %c0_i32 = arith.constant 0 : i32
    %c0_i32_0 = arith.constant 0 : i32
    return %c0_i32, %arg0 : i32, i32
  }
  func.func @transform_1(%arg0: i32) -> i32 {
    %c0_i32 = arith.constant 0 : i32
    return %arg0 : i32
  }
  func.func @transform_2(%arg0: i32) -> i32 {
    %c0_i32 = arith.constant 0 : i32
    return %arg0 : i32
  }
  func.func @transform_3(%arg0: i32) -> (i32, i32) {
    %c0_i32 = arith.constant 0 : i32
    %c0_i32_0 = arith.constant 0 : i32
    %c0_i32_1 = arith.constant 0 : i32
    return %c0_i32, %c0_i32_0 : i32, i32
  }
}

</mosaic_0001>

<sc_bundles>
// kernel: kernel.5.cloned.1.call-start
scs
__scs_entry_jumppad:
0x0: {  	(pc) =	sbr.rel $0x88, $3  }
0x1: {  	(tag) =	ssettag $0x0;
	lr =	simm.s32 $0x1  }
0x2: {  	[smem:$0x3F9F] =	sst lr;
	_ =	strace $0xD0000000  }
0x3: {  	_ = 	snop  }
0x4: {  	_ = 	snop  }
0x5: {  	_ = 	snop  }
0x6: {  	_ = 	snop  }
0x7: {  	_ = 	snop  }
__scs_overlays_trampoline_lowered:
0x8: {  	[smem:$0x3FAE] =	sst s0  }
0x9: {  	[smem:$0x3FAF] =	sst s1  }
0xa: {  	[smem:$0x3FB0] =	sst s2  }
0xb: {  	[smem:$0x3FB1] =	sst s3  }
0xc: {  	[smem:$0x3FB2] =	sst s4  }
0xd: {  	[smem:$0x3FB3] =	sst s5  }
0xe: {  	[smem:$0x3FB4] =	sst s6  }
0xf: {  	[smem:$0x3FB5] =	sst s7  }
0x10: {  	[smem:$0x3FB6] =	sst s8  }
0x11: {  	[smem:$0x3FB7] =	sst s9;
	s0 =	simm.s32 @!p0 $0x0  }
0x12: {  	s1 =	sld [smem:$0x3F9D];
	s0 =	simm.s32 @p0 $0x1  }
0x13: {  	[smem:$0x3FB8] =	sst s0;
	s0 =	simm.s32 @!p1 $0x0  }
0x14: {  	s2 =	sld [smem:$0x3F9C];
	s0 =	simm.s32 @p1 $0x1  }
0x15: {  	[smem:$0x3FB9] =	sst s0;
	s0 =	simm.s32 @!p2 $0x0  }
0x16: {  	s3 =	sld [smem:$0x3FDB];
	s0 =	simm.s32 @p2 $0x1  }
0x17: {  	s4 =	simm.s32 $0x1BF5;
	[smem:$0x3FBB] =	sst s0  }
0x18: {  	s0 =	sld [smem:$0x3F9E];
	_ =	swait.ge [sflag:s4], $0x0  }
0x19: {  	s7 =	sld [smem:$0x3F9F]  }
0x1a: {  	s8 =	sadd.s32 $0xFFFFE003, lr  }
0x1b: {  	s9 =	sadd.s32 $0xFFFFFEF7, lr;
	s5 =	simm.s32 $0xFFFFFFFF;
	p2 =	slt.u32 s8, $0xFFFFF086  }
0x1c: {  	p1 =	slt.u32 s9, $0xF7A;
	s5 =	simm.s32 @!p2 $0x0  }
0x1d: {  	s5 =	simm.s32 @p1 $0x1;
	p0 =	seq.s32 s7, s2  }
0x1e: {  	s7 =	smul.u32 @!p0 $0xF7A, s2;
	p2 =	seq.s32 @!p0 s5, $0x0  }
0x1f: {  	s9 =	smul.u32 $0xF7A, s1;
	s8 =	simm.s32 @!p0 $0x1BF5;
	p2 =	por !p2, p0  }
0x20: {  	[sflag:s8] =	ssyncset.s32 @!p0 $0xFFFFF086;
	s6 =	sadd.s32 @!p0 s3, s7;
	s7 =	simm.s32 @!p0 $0x108  }
0x21: {  	s3 =	sadd.s32 s3, s9;
	s6 =	sadd.s32 @!p0 $0x88, s6;
	s7 =	simm.s32 @p2 $0x1082  }
0x22: {  	[simem:s7], [sflag:s8] =	dma.local @!p0 [hbm:s6], $0xF7A  }
0x23: {  	s9 =	sor.u32 $0xD0000000, s2;
	s6 =	simm.s32 $0x108;
	_ =	swait.ge @!p0 [sflag:s8], $0x0  }
0x24: {  	s3 =	sadd.s32 $0x88, s3;
	s6 =	simm.s32 @!p1 $0x1082;
	[sflag:s4] =	ssyncset.s32 $0xFFFFF086  }
0x25: {  	[simem:s6], [sflag:s4] =	dma.local [hbm:s3], $0xF7A  }
0x26: {  	[smem:$0x3F9F] =	sst s1;
	(tag) =	ssettag s2;
	_ =	strace s9  }
0x27: {  	s1 =	sld [smem:$0x3FAF]  }
0x28: {  	s2 =	sld [smem:$0x3FB0]  }
0x29: {  	s4 =	sld [smem:$0x3FB2]  }
0x2a: {  	p0 =	seq.s32 s5, $0x0;
	s5 =	sld [smem:$0x3FB3]  }
0x2b: {  	s6 =	sld [smem:$0x3FB4]  }
0x2c: {  	s7 =	sld [smem:$0x3FB5]  }
0x2d: {  	s3 =	simm.s32 $0x108;
	s8 =	sld [smem:$0x3FB6]  }
0x2e: {  	s3 =	simm.s32 @!p0 $0x1082;
	s9 =	sld [smem:$0x3FB7]  }
0x2f: {  	lr =	sadd.s32 s0, s3;
	s0 =	sld [smem:$0x3FAE]  }
0x30: {  	s3 =	sld [smem:$0x3FB1]  }
0x31: {  	[smem:$0x3FBA] =	sst s10  }
0x32: {  	s10 =	sld [smem:$0x3FB8];
	_ =	sdelay $0x3  }
0x33: {  	p0 =	seq.s32 s10, $0x1;
	s10 =	sld [smem:$0x3FBA];
	_ =	sdelay $0x3  }
0x34: {  	[smem:$0x3FBA] =	sst s10  }
0x35: {  	s10 =	sld [smem:$0x3FB9];
	_ =	sdelay $0x3  }
0x36: {  	p1 =	seq.s32 s10, $0x1;
	s10 =	sld [smem:$0x3FBA];
	_ =	sdelay $0x3  }
0x37: {  	[smem:$0x3FBA] =	sst s10  }
0x38: {  	s10 =	sld [smem:$0x3FBB]  }
0x39: {  	_ = 	snop;
	(pc) =	sbr.ind lr, $3  }
0x3a: {  	_ = 	snop  }
0x3b: {  	_ = 	snop  }
0x3c: {  	p2 =	seq.s32 s10, $0x1;
	s10 =	sld [smem:$0x3FBA]  }
0x3d: {  	_ =	shalt  }
0x3e: {  	_ =	shalt  }
0x3f: {  	_ =	shalt  }
0x40: {  	_ =	shalt  }
0x41: {  	_ =	shalt  }
0x42: {  	_ =	shalt  }
0x43: {  	_ =	shalt  }
0x44: {  	_ =	shalt  }
0x45: {  	_ =	shalt  }
0x46: {  	_ =	shalt  }
0x47: {  	_ =	shalt  }
0x48: {  	_ =	shalt  }
0x49: {  	_ =	shalt  }
0x4a: {  	_ =	shalt  }
0x4b: {  	_ =	shalt  }
0x4c: {  	_ =	shalt  }
0x4d: {  	_ =	shalt  }
0x4e: {  	_ =	shalt  }
0x4f: {  	_ =	shalt  }
0x50: {  	_ =	shalt  }
0x51: {  	_ =	shalt  }
0x52: {  	_ =	shalt  }
0x53: {  	_ =	shalt  }
0x54: {  	_ =	shalt  }
0x55: {  	_ =	shalt  }
0x56: {  	_ =	shalt  }
0x57: {  	_ =	shalt  }
0x58: {  	_ =	shalt  }
0x59: {  	_ =	shalt  }
0x5a: {  	_ =	shalt  }
0x5b: {  	_ =	shalt  }
0x5c: {  	_ =	shalt  }
0x5d: {  	_ =	shalt  }
0x5e: {  	_ =	shalt  }
0x5f: {  	_ =	shalt  }
0x60: {  	_ =	shalt  }
0x61: {  	_ =	shalt  }
0x62: {  	_ =	shalt  }
0x63: {  	_ =	shalt  }
0x64: {  	_ =	shalt  }
0x65: {  	_ =	shalt  }
0x66: {  	_ =	shalt  }
0x67: {  	_ =	shalt  }
0x68: {  	_ =	shalt  }
0x69: {  	_ =	shalt  }
0x6a: {  	_ =	shalt  }
0x6b: {  	_ =	shalt  }
0x6c: {  	_ =	shalt  }
0x6d: {  	_ =	shalt  }
0x6e: {  	_ =	shalt  }
0x6f: {  	_ =	shalt  }
0x70: {  	_ =	shalt  }
0x71: {  	_ =	shalt  }
0x72: {  	_ =	shalt  }
0x73: {  	_ =	shalt  }
0x74: {  	_ =	shalt  }
0x75: {  	_ =	shalt  }
0x76: {  	_ =	shalt  }
0x77: {  	_ =	shalt  }
0x78: {  	_ =	shalt  }
0x79: {  	_ =	shalt  }
0x7a: {  	_ =	shalt  }
0x7b: {  	_ =	shalt  }
0x7c: {  	_ =	shalt  }
0x7d: {  	_ =	shalt  }
0x7e: {  	_ =	shalt  }
0x7f: {  	_ =	shalt  }
0x80: {  	_ =	shalt  }
0x81: {  	_ =	shalt  }
0x82: {  	_ =	shalt  }
0x83: {  	_ =	shalt  }
0x84: {  	_ =	shalt  }
0x85: {  	_ =	shalt  }
0x86: {  	_ =	shalt  }
0x87: {  	_ =	shalt  }
.Lfunc_end0:
.L_simem_size_0:
called_computation_lowered:
.L_overlay_start_0:
0x88: {  	s2 =	sld [smem:$0x3FD9]  }
0x89: {  	s3 =	sld [smem:$0x3FFE];
	_ =	sdelay $0x1  }
0x8a: {  	s1 =	srdreg.scid  }
0x8b: {  	s0 =	sand.u32 $0x1, s1  }
0x8c: {  	s16 =	sshll.u32 s0, $0xA;
	s2 =	sadd.s32 s3, s2  }
0x8d: {  	s2 =	sadd.s32 s2, s16  }
0x8e: {  	[smem:$0x3FC6] =	sst s2  }
0x8f: {  	_ = 	snop  }
0x90: {  	(tm) =	ssettm $0x1  }
0x91: {  	s17 =	sld [smem:$0x3FFB];
	_ =	sdelay $0x3  }
0x92: {  	_ =	strace s17  }
0x93: {  	s2 =	sld [smem:$0x3FFC];
	_ =	sdelay $0x3  }
0x94: {  	_ =	strace s2  }
0x95: {  	s2 =	sld [smem:$0x3FFD];
	_ =	sdelay $0x3  }
0x96: {  	_ =	strace s2  }
0x97: {  	_ =	strace $0x8FFFFFFF  }
0x98: {  	s18 =	sld [smem:$0x3FDB];
	_ =	sdelay $0x1  }
0x99: {  	s19 =	simm.s32 $_scs_section_size  }
0x9a: {  	s4 =	simm.s32 $_size__tile_overlayer_lowered;
	s5 =	simm.s32 $_tile_overlayer_lowered  }
0x9b: {  	s22 =	simm.s32 $0x1BFF;
	s21 =	sshll.u32 s5, $0x1;
	s2 =	sadd.s32 s19, s18  }
0x9c: {  	s6 =	simm.s32 $0x0;
	s20 =	sshll.u32 s4, $0x1;
	s4 =	sadd.s32 s21, s2  }
0x9d: {  	[timem:s6], [sflag:s22] =	dma.local [hbm:s4], s20  }
0x9e: {  	_ =	swait.ge [sflag:s22], s20  }
0x9f: {  	s3 =	ssub.s32 $0x0, s20;
	[sflag:s22] =	ssyncset.done $0x0  }
0xa0: {  	[sflag:s22] =	ssyncadd.s32 s3;
	_ =	sdelay $0x1  }
0xa1: {  	s23 =	simm.s32 $0x1B8B  }
0xa2: {  	_ =	swait.ge [sflag:s23], $0x1  }
0xa3: {  	[sflag:s23] =	ssyncset.done $0x0  }
0xa4: {  	s25 =	simm.s32 $0x1B8E;
	s24 =	sld [smem:$0x3FFE];
	[sflag:s23] =	ssyncadd.s32 $0xFFFFFFFF  }
0xa5: {  	s26 =	simm.s32 $execute0_lowered;
	[smem:$0x3FD2] =	sst s25  }
0xa6: {  	s4 =	sshll.u32 s26, $0x1;
	_ =	strace $0x80000046;
	[dreg:$0x1] =	wrdreg $0xFFFFFFFF  }
0xa7: {  	s28 =	simm.s32 $_size_execute0_lowered;
	s2 =	sadd.s32 s2, s4;
	[dreg:$0x0] =	wrdreg $0x0  }
0xa8: {  	s4 =	sshll.u32 s28, $0x1;
	[dreg:$0x2] =	wrdreg s2  }
0xa9: {  	[dreg:$0x3] =	wrdreg s4  }
0xaa: {  	[dreg:$0x4] =	wrdreg $0xC0  }
0xab: {  	_ =	task [dreg:s6], $0x5FFFF  }
0xac: {  	[dreg:$0x1] =	wrdreg $0xFFFFFFFF  }
0xad: {  	[dreg:$0x0] =	wrdreg $0x60  }
0xae: {  	[dreg:$0x2] =	wrdreg s24  }
0xaf: {  	[dreg:$0x3] =	wrdreg $0x9  }
0xb0: {  	_ =	task.clear_ibuf [dreg:s6], $0x4FFFF;
	_ =	strace $0x90000046  }
0xb1: {  	s29 =	simm.s32 $0x9;
	_ =	strace $0x80000048  }
0xb2: {  	_ =	swait.ge [sflag:s29], $0x1  }
0xb3: {  	[sflag:s29] =	ssyncadd.s32 $0xFFFFFFFF  }
0xb4: {  	_ =	strace $0x90000048  }
0xb5: {  	_ =	sfence  }
0xb6: {  	s30 =	sld [smem:$0x0];
	_ =	sdelay $0x2  }
0xb7: {  	s31 =	sshll.u32 s1, $0xD;
	s1 =	sshrl.u32 s1, $0x2  }
0xb8: {  	s3 =	sand.u32 $0x4000, s31;
	s1 =	sadd.s32 s1, s30  }
0xb9: {  	s0 =	sor.u32 s3, s0;
	s1 =	sshll.u32 s1, $0x11  }
0xba: {  	s0 =	sor.u32 s1, s0  }
0xbb: {  	s0 =	sadd.s32 $0x8F2B, s0  }
0xbc: {  	[sflag:s0] =	ssyncadd.remote.s32 $0x1  }
0xbd: {  	_ =	sfence.sel $0xFFFF  }
0xbe: {  	[dreg:$0x0] =	wrdreg $0xFFFFFFFF;
	(pc) =	sbr.abs _section_cstart, $3  }
0xbf: {  	[dreg:$0x1] =	wrdreg $0xFFFFFFFF  }
0xc0: {  	_ =	task.clear_ibuf [dreg:s6], $0x2FFFF;
	_ =	strace $0x9FFFFFFF  }
0xc1: {  	(tm) =	ssettm $0x7FFFFFFF  }
tec
execute0_lowered:
.L_overlay_start_1:
0x0: {  	(tag) =	ssettag $0x1  }
0x1: {  	s1 =	srdreg.scid  }
0x2: {  	s0 =	stileid.u32;
	s5 =	rddreg [dreg:$0x0]  }
0x3: {  	s2 =	simm.s32 $0x0;
	s11 =	simm.s32 $0x7A80;
	s12 =	simm.s32 $0x7B00  }
0x4: {  	s3 =	sand.u32 $0x1, s1;
	s4 =	sshll.u32 s0, $0x1;
	s1 =	rddreg [dreg:$0x1]  }
0x5: {  	s13 =	simm.s32 $0x0;
	[smem:$0x7FF] =	sst s2;
	s9 =	sor.u32 s3, s4  }
0x6: {  	_ =	strace $0x80000047;
	s7 =	ssub.s32 $0x2, s3;
	s4 =	smul.u32 $0xF44, s9  }
.Ltmp0:
0x7: {  	s3 =	sadd.s32 $0x1FE00, s5;
	s6 =	sshll.u32 s9, $0x4;
	(pc) =	sbr.rel .LBB2_1-.Ltmp0, $4  }
0x8: {  	s31 =	sshrl.u32 s7, $0x1;
	p0 =	seq.s32 s9, $0x1F;
	s9 =	simm.s32 $0x7B80  }
0x9: {  	v0 =	vimm.f32 $0.0e+00;
	s8 =	sadd.s32 s6, s5;
	s10 =	ssub.s32 s7, s31;
	s4 =	sadd.s32 s4, s5  }
0xa: {  	v1 =	vimm.s32 $0x0;
	vm0 =	vmmov $0x1;
	vm6 =	vcmask $0x1728;
	s5 =	sadd.s32 $0x1ED3C, s5;
	s6 =	sadd.s32 $0x20000, s8;
	s7 =	sadd.s32 $0x20200, s8  }
0xb: {  	vm7 =	vcmask $0x1B28;
	vm8 =	vcmask $0x1F28;
	vm9 =	vcmask $0x2328;
	s8 =	smax.u32 s10, $0x1;
	s10 =	simm.s32 $0x1;
	s4 =	sadd.s32 $0x1400, s4  }
.LBB2_7:
0xc: {  	vm1 =	vlt.s32 v25, $0x1  }
0xd: {  	vm2 =	veq.s32 v25, $0x1;
	vm3 =	veq.s32 v25, $0x6;
	v28 =	vadd.f32 v24, v4  }
0xe: {  	vm4 =	veq.s32 v25, $0x8;
	vm5 =	veq.s32 v25, $0x4;
	vm10 =	vgt.s32 v25, $0x8  }
0xf: {  	vm11 =	veq.s32 v25, $0x3;
	v2 =	vsel vm1, $0x3F800000, v0;
	v26 =	vnsel vm2, $0x0, v3  }
0x10: {  	v27 =	vnsel vm1, $0x0, v3;
	v4 =	vsel vm3, $0x3F800000, v0;
	v24 =	vnsel vm3, $0x0, v3  }
0x11: {  	vm1 =	veq.s32 v25, $0x5;
	vm3 =	veq.s32 v25, $0x2;
	v2 =	vadd.f32 v2, v10  }
0x12: {  	v10 =	vsel vm2, $0x3F800000, v0;
	v5 =	vadd.f32 v27, v5;
	v6 =	vadd.f32 v26, v6  }
0x13: {  	v4 =	vadd.f32 v4, v8;
	vm2 =	veq.s32 v25, $0x7;
	v8 =	vsel vm10, $0x3F800000, v0  }
0x14: {  	v25 =	vnsel vm10, $0x0, v3;
	v26 =	vsel vm4, $0x3F800000, v0;
	v10 =	vadd.f32 v10, v7  }
0x15: {  	v7 =	vadd.f32 v24, v9;
	v9 =	vsel vm5, $0x3F800000, v0;
	v8 =	vadd.f32 v8, v14  }
0x16: {  	v14 =	vnsel vm3, $0x0, v3;
	v24 =	vadd.f32 v9, v11;
	v9 =	vadd.f32 v26, v12  }
0x17: {  	v12 =	vsel vm2, $0x3F800000, v0;
	v11 =	vadd.f32 v25, v13;
	v25 =	vnsel vm1, $0x0, v3  }
0x18: {  	v13 =	vnsel vm4, $0x0, v3;
	v26 =	vnsel vm5, $0x0, v3;
	v14 =	vadd.f32 v14, v17  }
0x19: {  	v17 =	vnsel vm11, $0x0, v3;
	v12 =	vadd.f32 v12, v15;
	v15 =	vnsel vm2, $0x0, v3  }
0x1a: {  	v13 =	vadd.f32 v13, v16;
	v16 =	vsel vm11, $0x3F800000, v0;
	v3 =	vadd.f32 v26, v20  }
0x1b: {  	v26 =	vsel vm1, $0x3F800000, v0;
	v16 =	vadd.f32 v16, v18;
	v18 =	vadd.f32 v17, v21  }
0x1c: {  	v20 =	vsel vm3, $0x3F800000, v0;
	v17 =	vadd.f32 v25, v19;
	v15 =	vadd.f32 v15, v22  }
0x1d: {  	v20 =	vadd.f32 v20, v23;
	v19 =	vadd.f32 v26, v28  }
.LBB2_8:
0x1e: {  	(xrf2) =	vadd.scan.msk.f32 $0xffff, v5  }
0x1f: {  	(xrf2) =	vadd.scan.msk.f32 $0xffff, v2  }
0x20: {  	(xrf2) =	vadd.scan.msk.f32 $0xffff, v6  }
0x21: {  	(xrf2) =	vadd.scan.msk.f32 $0xffff, v10  }
0x22: {  	(xrf2) =	vadd.scan.msk.f32 $0xffff, v14  }
0x23: {  	(xrf2) =	vadd.scan.msk.f32 $0xffff, v20  }
0x24: {  	(xrf2) =	vadd.scan.msk.f32 $0xffff, v18  }
0x25: {  	(xrf2) =	vadd.scan.msk.f32 $0xffff, v16  }
0x26: {  	(xrf2) =	vadd.scan.msk.f32 $0xffff, v3  }
0x27: {  	(xrf2) =	vadd.scan.msk.f32 $0xffff, v24  }
0x28: {  	v2, _, _ =	vpop (xrf2);
	(xrf2) =	vadd.scan.msk.f32 $0xffff, v17  }
0x29: {  	v3, _, _ =	vpop (xrf2);
	(xrf2) =	vadd.scan.msk.f32 $0xffff, v19  }
0x2a: {  	v33, _, _ =	vpop (xrf2);
	(xrf2) =	vadd.scan.msk.f32 $0xffff, v7  }
0x2b: {  	v34, _, _ =	vpop (xrf2);
	(xrf2) =	vadd.scan.msk.f32 $0xffff, v4  }
0x2c: {  	v35, _, _ =	vpop (xrf2);
	(xrf2) =	vadd.scan.msk.f32 $0xffff, v15  }
0x2d: {  	v2 =	vbroadcast v2, $0xF;
	v36, _, _ =	vpop (xrf2);
	(xrf2) =	vadd.scan.msk.f32 $0xffff, v12  }
0x2e: {  	v3 =	vbroadcast v3, $0xF;
	v5 =	vbroadcast v33, $0xF;
	v37, _, _ =	vpop (xrf2);
	(xrf2) =	vadd.scan.msk.f32 $0xffff, v13  }
0x2f: {  	vm1 =	vcmask $0x328;
	v2 =	vnsel vm0, $0x0, v2;
	v6 =	vbroadcast v34, $0xF;
	v38, _, _ =	vpop (xrf2);
	(xrf2) =	vadd.scan.msk.f32 $0xffff, v9  }
0x30: {  	v3 =	vnsel vm0, $0x0, v3;
	v4 =	vbroadcast v35, $0xF;
	v2 =	vsel vm1, v2, v5;
	v39, _, _ =	vpop (xrf2);
	(xrf2) =	vadd.scan.msk.f32 $0xffff, v11  }
0x31: {  	v43 =	vbroadcast v36, $0xF;
	v3 =	vsel vm1, v3, v6;
	vm1 =	vcmask $0x728;
	v40, _, _ =	vpop (xrf2);
	(xrf2) =	vadd.scan.msk.f32 $0xffff, v8  }
0x32: {  	v44 =	vbroadcast v37, $0xF;
	v2 =	vsel vm1, v2, v4;
	v41, _, _ =	vpop (xrf2)  }
0x33: {  	v46 =	vbroadcast v38, $0xF;
	v3 =	vsel vm1, v3, v43;
	vm1 =	vcmask $0xB28;
	v42, _, _ =	vpop (xrf2)  }
0x34: {  	v2 =	vsel vm1, v2, v44;
	v48 =	vbroadcast v39, $0xF;
	v45, _, _ =	vpop (xrf2)  }
0x35: {  	v3 =	vsel vm1, v3, v46;
	v50 =	vbroadcast v40, $0xF;
	vm1 =	vcmask $0xF28;
	v47, _, _ =	vpop (xrf2)  }
0x36: {  	v8 =	vbroadcast v41, $0xF;
	v2 =	vsel vm1, v2, v48;
	v52 =	vbroadcast v42, $0xF;
	v49, _, _ =	vpop (xrf2)  }
0x37: {  	v3 =	vsel vm1, v3, v50;
	vm1 =	vcmask $0x1328;
	v10 =	vbroadcast v45, $0xF;
	v51, _, _ =	vpop (xrf2)  }
0x38: {  	v2 =	vsel vm1, v2, v8;
	v54 =	vbroadcast v47, $0xF;
	v53, _, _ =	vpop (xrf2)  }
0x39: {  	v3 =	vsel vm1, v3, v52;
	v2 =	vsel vm6, v2, v10;
	v56 =	vbroadcast v49, $0xF;
	v55, _, _ =	vpop (xrf2)  }
0x3a: {  	v3 =	vsel vm6, v3, v54;
	v58 =	vbroadcast v51, $0xF;
	v59 =	vbroadcast v53, $0xF;
	v57, _, _ =	vpop (xrf2)  }
0x3b: {  	v2 =	vsel vm7, v2, v56;
	v60 =	vbroadcast v55, $0xF;
	v61 =	vbroadcast v57, $0xF;
	v62, _, _ =	vpop (xrf2)  }
0x3c: {  	v3 =	vsel vm7, v3, v58;
	v2 =	vsel vm8, v2, v59;
	v63 =	vbroadcast v62, $0xF  }
0x3d: {  	v3 =	vsel vm8, v3, v60;
	v2 =	vsel vm9, v2, v61  }
0x3e: {  	v3 =	vsel vm9, v3, v63;
	[tilespmem:$0x7A80] =	vst v2  }
0x3f: {  	[tilespmem:$0x7B00] =	vst v3  }
0x40: {  	[hbm4b:s6+s2] =	stream.linear.scatter [tilespmem:s11], [sflag:$0x1], $0x80, $0x38;
	[tilespmem:$0x7C00] =	vst v63  }
0x41: {  	s13 =	sadd.s32 $0x1, s13;
	_ =	swait.ge [sflag:s10], $0x80  }
0x42: {  	p1 =	sne.s32 s13, s8;
	[sflag:s10] =	ssyncset.done $0x0  }
.Ltmp1:
0x43: {  	[sflag:s10] =	ssyncadd.s32 $0xFFFFFF80;
	(pc) =	sbr.rel @!p1 .LBB2_9-.Ltmp1, $4  }
0x44: {  	[hbm4b:s7+s2] =	stream.linear.scatter [tilespmem:s12], [sflag:$0x1], $0x80, $0x38;
	[tilespmem:$0x7C00] =	vst v63  }
0x45: {  	_ =	swait.ge [sflag:s10], $0x80  }
0x46: {  	[sflag:s10] =	ssyncset.done $0x0  }
0x47: {  	[sflag:s10] =	ssyncadd.s32 $0xFFFFFF80  }
.LBB2_1:
0x48: {  	[tilespmem:s9], [sflag:$0x1] =	stream.linear.gather [hbm4b:s3+s2], $0x80, $0x38;
	[tilespmem:$0x7C00] =	vst v63  }
0x49: {  	_ =	swait.ge [sflag:s10], $0x80  }
0x4a: {  	[sflag:s10] =	ssyncset.done $0x0  }
0x4b: {  	[sflag:s10] =	ssyncadd.s32 $0xFFFFFF80  }
0x4c: {  	v2 =	vld [tilespmem:$0x7B80];
	_ =	sdelay $0x4  }
0x4d: {  	(erf) = vrcp.f32 v2;
	_ =	sdelay $0x4  }
.Ltmp2:
0x4e: {  	_ = 	snop;
	(pc) =	sbr.rel @!p0 .LBB2_2-.Ltmp2, $2  }
0x4f: {  	_ =	sdelay $0x2  }
0x50: {  	s14 =	simm.s32 $0x0;
	v2 =	vpop (erf)  }
0x51: {  	[tilespmem:s14], [sflag:$0x1] =	stream.linear.gather [hbm4b:s5+s14], $0x7860, $0x38;
	[tilespmem:$0x7C00] =	vst v63  }
0x52: {  	_ =	swait.ge [sflag:s10], $0x7860  }
0x53: {  	[sflag:s10] =	ssyncset.done $0x0  }
0x54: {  	s30 =	simm.s32 $0x0;
	[sflag:s10] =	ssyncadd.s32 $0xFFFF87A0  }
0x55: {  	v18 =	vld [tilespmem:s30+$0x0];
	_ =	sdelay $0x4  }
0x56: {  	v3 =	vmul.f32 v18, v2;
	_ =	sdelay $0x1  }
0x57: {  	vm1 =	vge.f32 v3, $0.0e+00  }
0x58: {  	vm2 =	vge.f32 v3, $1.000000010e-01;
	vm1 =	vmneg vm1  }
0x59: {  	v5 =	vsel vm2, $0x1, v1;
	v4 =	vsel vm1, $0xFFFFFFFF, v1;
	vm1 =	vge.f32 v3, $2.000000030e-01  }
0x5a: {  	v6 =	vsel vm1, $0x1, v1;
	vm1 =	vge.f32 v3, $3.000000120e-01;
	v4 =	vadd.s32 v5, v4  }
0x5b: {  	vm2 =	vge.f32 v3, $4.000000060e-01;
	v4 =	vadd.s32 v6, v4;
	v5 =	vsel vm1, $0x1, v1  }
0x5c: {  	v6 =	vsel vm2, $0x1, v1;
	vm1 =	vge.f32 v3, $5.000000000e-01;
	v4 =	vadd.s32 v5, v4  }
0x5d: {  	vm2 =	vge.f32 v3, $6.000000240e-01;
	v5 =	vsel vm1, $0x1, v1;
	v4 =	vadd.s32 v6, v4  }
0x5e: {  	vm1 =	vge.f32 v3, $6.999999880e-01;
	v6 =	vsel vm2, $0x1, v1;
	v4 =	vadd.s32 v5, v4  }
0x5f: {  	vm2 =	vge.f32 v3, $8.000000110e-01;
	v5 =	vsel vm1, $0x1, v1;
	v4 =	vadd.s32 v6, v4  }
0x60: {  	vm1 =	vge.f32 v3, $8.999999760e-01;
	v6 =	vsel vm2, $0x1, v1;
	v4 =	vadd.s32 v5, v4  }
0x61: {  	vm2 =	vge.f32 v3, $1.000000950e+00;
	v3 =	vsel vm1, $0x1, v1;
	v4 =	vadd.s32 v6, v4  }
0x62: {  	v5 =	vsel vm2, $0x1, v1;
	v3 =	vadd.s32 v3, v4  }
0x63: {  	v11 =	vadd.s32 v5, v3  }
0x64: {  	v4 =	vimm.f32 $0.0e+00;
	vm1 =	vlt.s32 v11, $0x1;
	vm2 =	veq.s32 v11, $0x1  }
0x65: {  	vm3 =	veq.s32 v11, $0x6;
	vm12 =	veq.s32 v11, $0x5;
	vm15 =	veq.s32 v11, $0x7  }
0x66: {  	vm10 =	veq.s32 v11, $0x2;
	vm13 =	veq.s32 v11, $0x8;
	vm11 =	veq.s32 v11, $0x3  }
0x67: {  	vm14 =	veq.s32 v11, $0x4;
	v6 =	vnsel vm2, $0x0, v18;
	v5 =	vsel vm1, $0x3F800000, v0  }
0x68: {  	s31 =	simm.s32 $0x10;
	v7 =	vsel vm2, $0x3F800000, v0;
	v8 =	vnsel vm1, $0x0, v18;
	v9 =	vnsel vm3, $0x0, v18  }
0x69: {  	v3 =	vld [tilespmem:s31+$0x0];
	vm1 =	vgt.s32 v11, $0x8;
	v11 =	vsel vm14, $0x3F800000, v0;
	v12 =	vsel vm13, $0x3F800000, v0  }
0x6a: {  	v21 =	vsel vm15, $0x3F800000, v0;
	v26 =	vnsel vm15, $0x0, v18;
	v27 =	vnsel vm12, $0x0, v18  }
0x6b: {  	v29 =	vnsel vm14, $0x0, v18;
	v30 =	vsel vm10, $0x3F800000, v0;
	v10 =	vadd.f32 v5, v4  }
0x6c: {  	v5 =	vadd.f32 v8, v4;
	v6 =	vadd.f32 v6, v4;
	v8 =	vsel vm3, $0x3F800000, v0  }
0x6d: {  	v7 =	vadd.f32 v7, v4;
	v9 =	vadd.f32 v9, v4;
	v13 =	vnsel vm1, $0x0, v18  }
0x6e: {  	v11 =	vadd.f32 v11, v4;
	v12 =	vadd.f32 v12, v4;
	v14 =	vmul.f32 v3, v2  }
0x6f: {  	v15 =	vsel vm1, $0x3F800000, v0;
	v8 =	vadd.f32 v8, v4;
	v13 =	vadd.f32 v13, v4  }
0x70: {  	vm2 =	vge.f32 v14, $0.0e+00;
	vm3 =	vge.f32 v14, $4.000000060e-01;
	vm4 =	vge.f32 v14, $6.000000240e-01  }
0x71: {  	vm1 =	vge.f32 v14, $1.000000010e-01;
	vm5 =	vge.f32 v14, $8.000000110e-01;
	vm2 =	vmneg vm2  }
0x72: {  	v19 =	vsel vm3, $0x1, v1;
	vm3 =	vge.f32 v14, $5.000000000e-01;
	v22 =	vsel vm4, $0x1, v1  }
0x73: {  	vm4 =	vge.f32 v14, $6.999999880e-01;
	v24 =	vsel vm1, $0x1, v1;
	v25 =	vsel vm5, $0x1, v1  }
0x74: {  	v16 =	vsel vm2, $0xFFFFFFFF, v1;
	vm2 =	vge.f32 v14, $2.000000030e-01;
	v20 =	vsel vm3, $0x1, v1  }
0x75: {  	vm3 =	vge.f32 v14, $8.999999760e-01;
	v23 =	vsel vm4, $0x1, v1;
	vm4 =	vge.f32 v14, $1.000000950e+00  }
0x76: {  	v17 =	vsel vm2, $0x1, v1;
	vm2 =	vge.f32 v14, $3.000000120e-01;
	v16 =	vadd.s32 v24, v16  }
0x77: {  	v14 =	vadd.f32 v15, v4;
	v16 =	vadd.s32 v17, v16;
	v17 =	vsel vm2, $0x1, v1  }
0x78: {  	v15 =	vadd.f32 v21, v4;
	v21 =	vsel vm3, $0x1, v1;
	v16 =	vadd.s32 v17, v16  }
0x79: {  	v28 =	vsel vm4, $0x1, v1;
	v24 =	vsel vm12, $0x3F800000, v0;
	v16 =	vadd.s32 v19, v16  }
0x7a: {  	v17 =	vnsel vm10, $0x0, v18;
	v19 =	vnsel vm13, $0x0, v18;
	v20 =	vadd.s32 v20, v16  }
0x7b: {  	v17 =	vadd.f32 v17, v4;
	v16 =	vadd.f32 v19, v4;
	v19 =	vadd.s32 v22, v20  }
0x7c: {  	v22 =	vsel vm11, $0x3F800000, v0;
	v20 =	vadd.f32 v29, v4;
	v19 =	vadd.s32 v23, v19  }
0x7d: {  	v23 =	vnsel vm11, $0x0, v18;
	v18 =	vadd.f32 v22, v4;
	v19 =	vadd.s32 v25, v19  }
0x7e: {  	v22 =	vadd.s32 v21, v19;
	v21 =	vadd.f32 v23, v4;
	v19 =	vadd.f32 v27, v4  }
0x7f: {  	s14 =	simm.s32 $0x80;
	v23 =	vadd.f32 v30, v4;
	v25 =	vadd.s32 v28, v22;
	v22 =	vadd.f32 v26, v4  }
.LBB2_6:
0x80: {  	s15 =	sshra.s32 s14, $0x2;
	p1 =	sne.s32 s14, $0x1E140;
	s14 =	sadd.s32 $0x40, s14;
	vm1 =	vlt.s32 v25, $0x1;
	vm2 =	veq.s32 v25, $0x1;
	vm3 =	veq.s32 v25, $0x6  }
0x81: {  	v26 =	vld [tilespmem:s15+$0x0];
	v27 =	vnsel vm2, $0x0, v3;
	v28 =	vsel vm1, $0x3F800000, v0;
	v29 =	vsel vm2, $0x3F800000, v0  }
0x82: {  	v4 =	vadd.f32 v24, v4;
	v30 =	vnsel vm1, $0x0, v3;
	v10 =	vadd.f32 v28, v10  }
0x83: {  	v24 =	vsel vm3, $0x3F800000, v0;
	v5 =	vadd.f32 v30, v5;
	v6 =	vadd.f32 v27, v6  }
0x84: {  	v27 =	vnsel vm3, $0x0, v3;
	v7 =	vadd.f32 v29, v7;
	v8 =	vadd.f32 v24, v8  }
0x85: {  	vm12 =	veq.s32 v25, $0x5;
	vm15 =	veq.s32 v25, $0x7;
	v9 =	vadd.f32 v27, v9  }
0x86: {  	vm10 =	veq.s32 v25, $0x2;
	vm14 =	veq.s32 v25, $0x8;
	v24 =	vmul.f32 v26, v2  }
0x87: {  	vm11 =	veq.s32 v25, $0x3;
	vm13 =	veq.s32 v25, $0x4;
	vm1 =	vgt.s32 v25, $0x8  }
0x88: {  	v25 =	vsel vm1, $0x3F800000, v0;
	vm2 =	vge.f32 v24, $0.0e+00;
	vm3 =	vge.f32 v24, $4.000000060e-01  }
0x89: {  	v27 =	vsel vm13, $0x3F800000, v0;
	vm4 =	vge.f32 v24, $6.000000240e-01;
	vm2 =	vmneg vm2  }
0x8a: {  	v29 =	vnsel vm1, $0x0, v3;
	v28 =	vsel vm2, $0xFFFFFFFF, v1;
	vm2 =	vge.f32 v24, $2.000000030e-01  }
0x8b: {  	v31 =	vsel vm14, $0x3F800000, v0;
	vm1 =	vge.f32 v24, $1.000000010e-01;
	v30 =	vsel vm2, $0x1, v1  }
0x8c: {  	v11 =	vadd.f32 v27, v11;
	vm5 =	vge.f32 v24, $8.000000110e-01;
	vm2 =	vge.f32 v24, $3.000000120e-01  }
0x8d: {  	v12 =	vadd.f32 v31, v12;
	v27 =	vsel vm3, $0x1, v1;
	vm3 =	vge.f32 v24, $5.000000000e-01  }
0x8e: {  	v32 =	vsel vm15, $0x3F800000, v0;
	v31 =	vsel vm3, $0x1, v1;
	vm3 =	vge.f32 v24, $8.999999760e-01  }
0x8f: {  	v13 =	vadd.f32 v29, v13;
	v33 =	vsel vm4, $0x1, v1;
	vm4 =	vge.f32 v24, $6.999999880e-01  }
0x90: {  	v14 =	vadd.f32 v25, v14;
	v29 =	vsel vm4, $0x1, v1;
	vm4 =	vge.f32 v24, $1.000000950e+00  }
0x91: {  	v15 =	vadd.f32 v32, v15;
	v25 =	vsel vm5, $0x1, v1;
	v24 =	vsel vm1, $0x1, v1  }
0x92: {  	v32 =	vnsel vm15, $0x0, v3;
	v24 =	vadd.s32 v24, v28;
	v28 =	vsel vm3, $0x1, v1  }
0x93: {  	v34 =	vnsel vm12, $0x0, v3;
	v24 =	vadd.s32 v30, v24;
	v30 =	vsel vm2, $0x1, v1  }
0x94: {  	v35 =	vsel vm4, $0x1, v1;
	v30 =	vadd.s32 v30, v24;
	v24 =	vsel vm12, $0x3F800000, v0  }
0x95: {  	v36 =	vnsel vm14, $0x0, v3;
	v27 =	vadd.s32 v27, v30;
	v30 =	vnsel vm10, $0x0, v3  }
0x96: {  	v16 =	vadd.f32 v36, v16;
	v27 =	vadd.s32 v31, v27;
	v31 =	vnsel vm13, $0x0, v3  }
.Ltmp3:
0x97: {  	v17 =	vadd.f32 v30, v17;
	v30 =	vsel vm11, $0x3F800000, v0;
	v27 =	vadd.s32 v33, v27;
	(pc) =	sbr.rel @p1 .LBB2_6-.Ltmp3, $4  }
0x98: {  	v33 =	vsel vm10, $0x3F800000, v0;
	v27 =	vadd.s32 v29, v27;
	v29 =	vnsel vm11, $0x0, v3;
	v3 =	vmovc v26  }
0x99: {  	v20 =	vadd.f32 v31, v20;
	v18 =	vadd.f32 v30, v18;
	v25 =	vadd.s32 v25, v27  }
0x9a: {  	v19 =	vadd.f32 v34, v19;
	v21 =	vadd.f32 v29, v21;
	v25 =	vadd.s32 v28, v25  }
0x9b: {  	v22 =	vadd.f32 v32, v22;
	v23 =	vadd.f32 v33, v23;
	v25 =	vadd.s32 v35, v25  }
.Ltmp4:
0x9c: {  	_ = 	snop;
	(pc) =	sbr.rel .LBB2_7-.Ltmp4, $1  }
0x9d: {  	_ =	sdelay $0x3  }
.LBB2_2:
0x9e: {  	[tilespmem:s14], [sflag:$0x1] =	stream.linear.gather [hbm4b:s4+s14], $0x7A20, $0x38;
	[tilespmem:$0x7C00] =	vst v63  }
0x9f: {  	_ =	swait.ge [sflag:s10], $0x7A20  }
0xa0: {  	[sflag:s10] =	ssyncset.done $0x0  }
0xa1: {  	s30 =	simm.s32 $0x0;
	[sflag:s10] =	ssyncadd.s32 $0xFFFF85E0  }
0xa2: {  	v18 =	vld [tilespmem:s30+$0x0];
	_ =	sdelay $0x4  }
0xa3: {  	v3 =	vmul.f32 v18, v2;
	_ =	sdelay $0x1  }
0xa4: {  	vm10 =	vge.f32 v3, $0.0e+00  }
0xa5: {  	vm11 =	vge.f32 v3, $1.000000010e-01;
	vm10 =	vmneg vm10  }
0xa6: {  	v5 =	vsel vm11, $0x1, v1;
	v4 =	vsel vm10, $0xFFFFFFFF, v1;
	vm10 =	vge.f32 v3, $2.000000030e-01  }
0xa7: {  	v6 =	vsel vm10, $0x1, v1;
	vm10 =	vge.f32 v3, $3.000000120e-01;
	v4 =	vadd.s32 v5, v4  }
0xa8: {  	vm11 =	vge.f32 v3, $4.000000060e-01;
	v4 =	vadd.s32 v6, v4;
	v5 =	vsel vm10, $0x1, v1  }
0xa9: {  	v6 =	vsel vm11, $0x1, v1;
	vm10 =	vge.f32 v3, $5.000000000e-01;
	v4 =	vadd.s32 v5, v4  }
0xaa: {  	vm11 =	vge.f32 v3, $6.000000240e-01;
	v5 =	vsel vm10, $0x1, v1;
	v4 =	vadd.s32 v6, v4  }
0xab: {  	vm10 =	vge.f32 v3, $6.999999880e-01;
	v6 =	vsel vm11, $0x1, v1;
	v4 =	vadd.s32 v5, v4  }
0xac: {  	vm11 =	vge.f32 v3, $8.000000110e-01;
	v5 =	vsel vm10, $0x1, v1;
	v4 =	vadd.s32 v6, v4  }
0xad: {  	vm10 =	vge.f32 v3, $8.999999760e-01;
	v6 =	vsel vm11, $0x1, v1;
	v4 =	vadd.s32 v5, v4  }
0xae: {  	vm11 =	vge.f32 v3, $1.000000950e+00;
	v3 =	vsel vm10, $0x1, v1;
	v4 =	vadd.s32 v6, v4  }
0xaf: {  	v5 =	vsel vm11, $0x1, v1;
	v3 =	vadd.s32 v3, v4  }
0xb0: {  	v11 =	vadd.s32 v5, v3  }
0xb1: {  	v4 =	vimm.f32 $0.0e+00;
	vm10 =	vlt.s32 v11, $0x1;
	vm11 =	veq.s32 v11, $0x1  }
0xb2: {  	vm12 =	veq.s32 v11, $0x6;
	vm15 =	veq.s32 v11, $0x7;
	vm13 =	veq.s32 v11, $0x8  }
0xb3: {  	vm14 =	veq.s32 v11, $0x4;
	vm1 =	vgt.s32 v11, $0x8;
	v6 =	vnsel vm11, $0x0, v18  }
0xb4: {  	v5 =	vsel vm10, $0x3F800000, v0;
	v7 =	vsel vm11, $0x3F800000, v0;
	v8 =	vnsel vm10, $0x0, v18  }
0xb5: {  	s31 =	simm.s32 $0x10;
	v9 =	vnsel vm12, $0x0, v18;
	vm10 =	veq.s32 v11, $0x2;
	vm11 =	veq.s32 v11, $0x3  }
0xb6: {  	v3 =	vld [tilespmem:s31+$0x0];
	v15 =	vsel vm1, $0x3F800000, v0;
	v13 =	vnsel vm1, $0x0, v18;
	v12 =	vsel vm13, $0x3F800000, v0  }
0xb7: {  	v21 =	vsel vm15, $0x3F800000, v0;
	v26 =	vnsel vm15, $0x0, v18;
	v10 =	vadd.f32 v5, v4  }
0xb8: {  	v29 =	vnsel vm14, $0x0, v18;
	v5 =	vadd.f32 v8, v4;
	v6 =	vadd.f32 v6, v4  }
0xb9: {  	v8 =	vsel vm12, $0x3F800000, v0;
	v7 =	vadd.f32 v7, v4;
	vm12 =	veq.s32 v11, $0x5  }
0xba: {  	v9 =	vadd.f32 v9, v4;
	v11 =	vsel vm14, $0x3F800000, v0;
	v12 =	vadd.f32 v12, v4  }
0xbb: {  	v13 =	vadd.f32 v13, v4;
	v30 =	vsel vm10, $0x3F800000, v0;
	v14 =	vmul.f32 v3, v2  }
0xbc: {  	v8 =	vadd.f32 v8, v4;
	v11 =	vadd.f32 v11, v4;
	v27 =	vnsel vm12, $0x0, v18  }
0xbd: {  	vm2 =	vge.f32 v14, $0.0e+00;
	vm3 =	vge.f32 v14, $4.000000060e-01;
	vm4 =	vge.f32 v14, $6.000000240e-01  }
0xbe: {  	vm1 =	vge.f32 v14, $1.000000010e-01;
	vm5 =	vge.f32 v14, $8.000000110e-01;
	vm2 =	vmneg vm2  }
0xbf: {  	v19 =	vsel vm3, $0x1, v1;
	vm3 =	vge.f32 v14, $5.000000000e-01;
	v22 =	vsel vm4, $0x1, v1  }
0xc0: {  	vm4 =	vge.f32 v14, $6.999999880e-01;
	v24 =	vsel vm1, $0x1, v1;
	v25 =	vsel vm5, $0x1, v1  }
0xc1: {  	v16 =	vsel vm2, $0xFFFFFFFF, v1;
	vm2 =	vge.f32 v14, $2.000000030e-01;
	v20 =	vsel vm3, $0x1, v1  }
0xc2: {  	vm3 =	vge.f32 v14, $8.999999760e-01;
	v23 =	vsel vm4, $0x1, v1;
	vm4 =	vge.f32 v14, $1.000000950e+00  }
0xc3: {  	v17 =	vsel vm2, $0x1, v1;
	vm2 =	vge.f32 v14, $3.000000120e-01;
	v16 =	vadd.s32 v24, v16  }
0xc4: {  	v14 =	vadd.f32 v15, v4;
	v16 =	vadd.s32 v17, v16;
	v17 =	vsel vm2, $0x1, v1  }
0xc5: {  	v15 =	vadd.f32 v21, v4;
	v21 =	vsel vm3, $0x1, v1;
	v16 =	vadd.s32 v17, v16  }
0xc6: {  	v28 =	vsel vm4, $0x1, v1;
	v24 =	vsel vm12, $0x3F800000, v0;
	v16 =	vadd.s32 v19, v16  }
0xc7: {  	v17 =	vnsel vm10, $0x0, v18;
	v19 =	vnsel vm13, $0x0, v18;
	v20 =	vadd.s32 v20, v16  }
0xc8: {  	v17 =	vadd.f32 v17, v4;
	v16 =	vadd.f32 v19, v4;
	v19 =	vadd.s32 v22, v20  }
0xc9: {  	v22 =	vsel vm11, $0x3F800000, v0;
	v20 =	vadd.f32 v29, v4;
	v19 =	vadd.s32 v23, v19  }
0xca: {  	v23 =	vnsel vm11, $0x0, v18;
	v18 =	vadd.f32 v22, v4;
	v19 =	vadd.s32 v25, v19  }
0xcb: {  	v22 =	vadd.s32 v21, v19;
	v21 =	vadd.f32 v23, v4;
	v19 =	vadd.f32 v27, v4  }
0xcc: {  	s14 =	simm.s32 $0x80;
	v23 =	vadd.f32 v30, v4;
	v25 =	vadd.s32 v28, v22;
	v22 =	vadd.f32 v26, v4  }
.LBB2_3:
0xcd: {  	s15 =	sshra.s32 s14, $0x2;
	p1 =	seq.s32 s14, $0x1E840;
	s14 =	sadd.s32 $0x40, s14;
	vm1 =	vlt.s32 v25, $0x1;
	vm2 =	veq.s32 v25, $0x1;
	vm3 =	veq.s32 v25, $0x6  }
0xce: {  	v26 =	vld [tilespmem:s15+$0x0];
	v27 =	vnsel vm2, $0x0, v3;
	v28 =	vsel vm1, $0x3F800000, v0;
	v29 =	vsel vm2, $0x3F800000, v0  }
0xcf: {  	v4 =	vadd.f32 v24, v4;
	v30 =	vnsel vm1, $0x0, v3;
	v10 =	vadd.f32 v28, v10  }
0xd0: {  	v24 =	vsel vm3, $0x3F800000, v0;
	v5 =	vadd.f32 v30, v5;
	v6 =	vadd.f32 v27, v6  }
0xd1: {  	v27 =	vnsel vm3, $0x0, v3;
	v7 =	vadd.f32 v29, v7;
	v8 =	vadd.f32 v24, v8  }
0xd2: {  	vm12 =	veq.s32 v25, $0x5;
	vm15 =	veq.s32 v25, $0x7;
	v9 =	vadd.f32 v27, v9  }
0xd3: {  	vm10 =	veq.s32 v25, $0x2;
	vm14 =	veq.s32 v25, $0x8;
	v24 =	vmul.f32 v26, v2  }
0xd4: {  	vm11 =	veq.s32 v25, $0x3;
	vm13 =	veq.s32 v25, $0x4;
	vm1 =	vgt.s32 v25, $0x8  }
0xd5: {  	v25 =	vsel vm1, $0x3F800000, v0;
	vm2 =	vge.f32 v24, $0.0e+00;
	vm3 =	vge.f32 v24, $4.000000060e-01  }
0xd6: {  	v27 =	vsel vm13, $0x3F800000, v0;
	vm4 =	vge.f32 v24, $6.000000240e-01;
	vm2 =	vmneg vm2  }
0xd7: {  	v29 =	vnsel vm1, $0x0, v3;
	v28 =	vsel vm2, $0xFFFFFFFF, v1;
	vm2 =	vge.f32 v24, $2.000000030e-01  }
0xd8: {  	v31 =	vsel vm14, $0x3F800000, v0;
	vm1 =	vge.f32 v24, $1.000000010e-01;
	v30 =	vsel vm2, $0x1, v1  }
0xd9: {  	v11 =	vadd.f32 v27, v11;
	vm5 =	vge.f32 v24, $8.000000110e-01;
	vm2 =	vge.f32 v24, $3.000000120e-01  }
0xda: {  	v12 =	vadd.f32 v31, v12;
	v27 =	vsel vm3, $0x1, v1;
	vm3 =	vge.f32 v24, $5.000000000e-01  }
0xdb: {  	v32 =	vsel vm15, $0x3F800000, v0;
	v31 =	vsel vm3, $0x1, v1;
	vm3 =	vge.f32 v24, $8.999999760e-01  }
0xdc: {  	v13 =	vadd.f32 v29, v13;
	v33 =	vsel vm4, $0x1, v1;
	vm4 =	vge.f32 v24, $6.999999880e-01  }
0xdd: {  	v14 =	vadd.f32 v25, v14;
	v29 =	vsel vm4, $0x1, v1;
	vm4 =	vge.f32 v24, $1.000000950e+00  }
0xde: {  	v15 =	vadd.f32 v32, v15;
	v25 =	vsel vm5, $0x1, v1;
	v24 =	vsel vm1, $0x1, v1  }
0xdf: {  	v32 =	vnsel vm15, $0x0, v3;
	v24 =	vadd.s32 v24, v28;
	v28 =	vsel vm3, $0x1, v1  }
0xe0: {  	v34 =	vnsel vm12, $0x0, v3;
	v24 =	vadd.s32 v30, v24;
	v30 =	vsel vm2, $0x1, v1  }
0xe1: {  	v35 =	vsel vm4, $0x1, v1;
	v30 =	vadd.s32 v30, v24;
	v24 =	vsel vm12, $0x3F800000, v0  }
0xe2: {  	v36 =	vnsel vm14, $0x0, v3;
	v27 =	vadd.s32 v27, v30;
	v30 =	vnsel vm10, $0x0, v3  }
0xe3: {  	v16 =	vadd.f32 v36, v16;
	v27 =	vadd.s32 v31, v27;
	v31 =	vnsel vm13, $0x0, v3  }
.Ltmp5:
0xe4: {  	v17 =	vadd.f32 v30, v17;
	v30 =	vsel vm11, $0x3F800000, v0;
	v27 =	vadd.s32 v33, v27;
	(pc) =	sbr.rel @!p1 .LBB2_3-.Ltmp5, $4  }
0xe5: {  	v33 =	vsel vm10, $0x3F800000, v0;
	v27 =	vadd.s32 v29, v27;
	v29 =	vnsel vm11, $0x0, v3;
	v3 =	vmovc v26  }
0xe6: {  	v20 =	vadd.f32 v31, v20;
	v18 =	vadd.f32 v30, v18;
	v25 =	vadd.s32 v25, v27  }
0xe7: {  	v19 =	vadd.f32 v34, v19;
	v21 =	vadd.f32 v29, v21;
	v25 =	vadd.s32 v28, v25  }
0xe8: {  	v22 =	vadd.f32 v32, v22;
	v23 =	vadd.f32 v33, v23;
	v25 =	vadd.s32 v35, v25  }
0xe9: {  	vm1 =	vlt.s32 v25, $0x1  }
0xea: {  	vm2 =	veq.s32 v25, $0x1;
	vm3 =	veq.s32 v25, $0x6;
	v28 =	vadd.f32 v24, v4  }
0xeb: {  	vm4 =	veq.s32 v25, $0x8;
	vm5 =	veq.s32 v25, $0x4;
	vm10 =	vgt.s32 v25, $0x8  }
0xec: {  	vm11 =	veq.s32 v25, $0x3;
	v2 =	vsel vm1, $0x3F800000, v0;
	v26 =	vnsel vm2, $0x0, v3  }
0xed: {  	v27 =	vnsel vm1, $0x0, v3;
	v4 =	vsel vm3, $0x3F800000, v0;
	v24 =	vnsel vm3, $0x0, v3  }
0xee: {  	vm1 =	veq.s32 v25, $0x5;
	vm3 =	veq.s32 v25, $0x2;
	v2 =	vadd.f32 v2, v10  }
0xef: {  	v10 =	vsel vm2, $0x3F800000, v0;
	v5 =	vadd.f32 v27, v5;
	v6 =	vadd.f32 v26, v6  }
0xf0: {  	v4 =	vadd.f32 v4, v8;
	vm2 =	veq.s32 v25, $0x7;
	v8 =	vsel vm10, $0x3F800000, v0  }
0xf1: {  	v25 =	vnsel vm10, $0x0, v3;
	v26 =	vsel vm4, $0x3F800000, v0;
	v10 =	vadd.f32 v10, v7  }
0xf2: {  	v7 =	vadd.f32 v24, v9;
	v9 =	vsel vm5, $0x3F800000, v0;
	v8 =	vadd.f32 v8, v14  }
0xf3: {  	v14 =	vnsel vm3, $0x0, v3;
	v24 =	vadd.f32 v9, v11;
	v9 =	vadd.f32 v26, v12  }
0xf4: {  	v12 =	vsel vm2, $0x3F800000, v0;
	v11 =	vadd.f32 v25, v13;
	v25 =	vnsel vm1, $0x0, v3  }
0xf5: {  	v13 =	vnsel vm4, $0x0, v3;
	v26 =	vnsel vm5, $0x0, v3;
	v14 =	vadd.f32 v14, v17  }
.Ltmp6:
0xf6: {  	v17 =	vnsel vm11, $0x0, v3;
	v12 =	vadd.f32 v12, v15;
	v15 =	vnsel vm2, $0x0, v3;
	(pc) =	sbr.rel .LBB2_8-.Ltmp6, $4  }
0xf7: {  	v13 =	vadd.f32 v13, v16;
	v16 =	vsel vm11, $0x3F800000, v0;
	v3 =	vadd.f32 v26, v20  }
0xf8: {  	v26 =	vsel vm1, $0x3F800000, v0;
	v16 =	vadd.f32 v16, v18;
	v18 =	vadd.f32 v17, v21  }
0xf9: {  	v20 =	vsel vm3, $0x3F800000, v0;
	v17 =	vadd.f32 v25, v19;
	v15 =	vadd.f32 v15, v22  }
0xfa: {  	v20 =	vadd.f32 v20, v23;
	v19 =	vadd.f32 v26, v28  }
.LBB2_9:
0xfb: {  	_ =	sfence.sel $0x180000  }
0xfc: {  	[bflag:$0x0] =	sbarrier.arrive $0xFFFF  }
0xfd: {  	p0 =	sne.s32 s0, $0x0;
	_ =	strace $0x90000047  }
0xfe: {  	s0 =	sadd.s32 @!p0 $0x100000, s1;
	[bflag:$0x2] =	sbarrier.arrive $0xFFFF  }
0xff: {  	[sflag:s0] =	ssyncadd.tile.s32 @!p0 $0x1;
	_ =	shalt  }
.Lfunc_end2:
_tile_overlayer_lowered:
.L_overlay_start_2:
0x100: {  	(tag) =	ssettag $0x2  }
0x101: {  	s0 =	rddreg [dreg:$0x0];
	s2 =	stileid.u32  }
0x102: {  	s1 =	rddreg [dreg:$0x1];
	p0 =	sne.s32 s2, $0x0  }
0x103: {  	s3 =	rddreg [dreg:$0x2];
	[bflag:$0x3] =	sbarrier.arrive $0xFFFF;
	s2 =	simm.s32 @!p0 $0x1C01  }
0x104: {  	[timem:s3], [sflag:s2] =	dma.local @!p0 [hbm:s0], s1  }
0x105: {  	s0 =	simm.s32 @!p0 $0x1  }
0x106: {  	_ =	swait.ge @!p0 [sflag:s0], s1  }
0x107: {  	s1 =	ssub.s32 @!p0 $0x0, s1;
	[sflag:s0] =	ssyncset.done @!p0 $0x0  }
0x108: {  	[sflag:s0] =	ssyncadd.s32 @!p0 s1  }
0x109: {  	[bflag:$0x3] =	sbarrier.arrive $0xFFFF  }
0x10a: {  	_ =	shalt  }

</sc_bundles>
